<compile_context>
chip_gen: v7x
topology: tpu7x:2x2x1
jax: 0.10.2.dev20260603
libtpu: 0.0.44.dev20260713+nightly
codegen_flags: <defaults>
</compile_context>

<pallas_src>
import functools

import jax
import jax.numpy as jnp
from jax import lax
from jax.experimental import pallas as pl
from jax.experimental.pallas import tpu as pltpu
from jax.experimental.pallas import tpu_sc as plsc

N = 10000
D = 128
E = 320000
DH = 64

N_P = 10240
ROWS_PER_TILE = N_P // 16

EA_PER_TILE = 10000
EA_TOT = 32 * EA_PER_TILE

CHUNK = 125
NCHUNK = 160
HALF = 80
EB_PER_TILE = NCHUNK * CHUNK
EB_TOT = 16 * EB_PER_TILE

def _deg_body(dst_hbm, cnt_hbm, idx_v, cnt_v):
    c = lax.axis_index("c")
    s = lax.axis_index("s")
    wid = c * 16 + s
    pltpu.sync_copy(dst_hbm.at[wid], idx_v)

    zero16 = jnp.zeros((16,), jnp.float32)

    def zero_step(i, carry):
        cnt_v[pl.ds(i * 16, 16)] = zero16
        return carry

    lax.fori_loop(0, N_P // 16, zero_step, 0, unroll=8)

    ones16 = jnp.ones((16,), jnp.float32)

    def acc_step(i, carry):
        idx = idx_v[pl.ds(i * 16, 16)]
        plsc.addupdate_scatter(cnt_v, [idx], ones16)
        return carry

    lax.fori_loop(0, EA_PER_TILE // 16, acc_step, 0, unroll=8)
    pltpu.sync_copy(cnt_v, cnt_hbm.at[wid])


@functools.lru_cache(maxsize=None)
def _deg_call():
    mesh = plsc.VectorSubcoreMesh(
        core_axis_name="c", subcore_axis_name="s", num_cores=2, num_subcores=16
    )
    return pl.kernel(
        _deg_body,
        out_type=jax.ShapeDtypeStruct((32, N_P), jnp.float32),
        mesh=mesh,
        compiler_params=pltpu.CompilerParams(needs_layout_passes=False),
        scratch_types=[
            pltpu.VMEM((EA_PER_TILE,), jnp.int32),
            pltpu.VMEM((N_P,), jnp.float32),
        ],
    )


def _segsum_body(y_hbm, src_hbm, dst_hbm, out_hbm,
                 y_sh, out_sh, idx_s, idx_d, buf_a, buf_b, sem_a, sem_b):
    c = lax.axis_index("c")
    s = lax.axis_index("s")
    rows = pl.ds(s * ROWS_PER_TILE, ROWS_PER_TILE)

    cols = pl.ds(c * DH, DH)
    pltpu.sync_copy(y_hbm.at[rows, cols], y_sh.at[rows])
    pltpu.sync_copy(y_hbm.at[rows, cols], out_sh.at[rows])
    plsc.subcore_barrier()

    def half(h, carry):
        pltpu.sync_copy(src_hbm.at[s, pl.ds(h * HALF, HALF)], idx_s)
        pltpu.sync_copy(dst_hbm.at[s, pl.ds(h * HALF, HALF)], idx_d)

        pltpu.async_copy(y_sh.at[idx_s.at[0]], buf_a, sem_a)
        pltpu.async_copy(y_sh.at[idx_s.at[1]], buf_b, sem_b)

        def step(jj, carry2):
            j = 2 * jj
            pltpu.make_async_copy(y_sh.at[idx_s.at[j]], buf_a, sem_a).wait()
            pltpu.sync_copy(buf_a, out_sh.at[idx_d.at[j]], add=True)

            @pl.when(j + 2 < HALF)
            def _():
                pltpu.async_copy(y_sh.at[idx_s.at[j + 2]], buf_a, sem_a)

            pltpu.make_async_copy(y_sh.at[idx_s.at[j + 1]], buf_b, sem_b).wait()
            pltpu.sync_copy(buf_b, out_sh.at[idx_d.at[j + 1]], add=True)

            @pl.when(j + 3 < HALF)
            def _():
                pltpu.async_copy(y_sh.at[idx_s.at[j + 3]], buf_b, sem_b)

            return carry2

        lax.fori_loop(0, HALF // 2, step, 0)
        return carry

    lax.fori_loop(0, 2, half, 0)
    plsc.subcore_barrier()

    pltpu.sync_copy(out_sh.at[rows], out_hbm.at[rows, cols])


@functools.lru_cache(maxsize=None)
def _segsum_call():
    mesh = plsc.VectorSubcoreMesh(
        core_axis_name="c", subcore_axis_name="s", num_cores=2, num_subcores=16
    )
    return pl.kernel(
        _segsum_body,
        out_type=jax.ShapeDtypeStruct((N_P, D), jnp.float32),
        mesh=mesh,
        compiler_params=pltpu.CompilerParams(
            needs_layout_passes=False, use_tc_tiling_on_sc=False
        ),
        scratch_types=[
            pltpu.VMEM_SHARED((N_P, DH), jnp.float32),
            pltpu.VMEM_SHARED((N_P, DH), jnp.float32),
            pltpu.VMEM((HALF, CHUNK), jnp.int32),
            pltpu.VMEM((HALF, CHUNK), jnp.int32),
            pltpu.VMEM((CHUNK, DH), jnp.float32),
            pltpu.VMEM((CHUNK, DH), jnp.float32),
            pltpu.SemaphoreType.DMA,
            pltpu.SemaphoreType.DMA,
        ],
    )



_BLK = 1024


def _tc1_body(x_ref, w_ref, b_ref, cnt_ref, y_ref, dinv_ref):
    i = pl.program_id(0)
    xw = jnp.dot(x_ref[...], w_ref[...], preferred_element_type=jnp.float32)
    xw = xw + b_ref[...]
    ones = jnp.ones((32, 1), jnp.float32)
    deg = lax.dot_general(cnt_ref[...], ones, (((0,), (0,)), ((), ())),
                          preferred_element_type=jnp.float32)
    rowid = i * _BLK + lax.broadcasted_iota(jnp.int32, (_BLK, 1), 0)
    deg = deg + jnp.where(rowid < N, 1.0, 0.0)
    dinv = jnp.where(deg > 0, lax.rsqrt(deg), 0.0)
    y_ref[...] = xw * dinv
    dinv_ref[...] = dinv


def _tc2_body(s1_ref, dinv_ref, w_ref, b_ref, y_ref):
    dinv = dinv_ref[...]
    h = jnp.maximum(s1_ref[...] * dinv, 0.0)
    xw = jnp.dot(h, w_ref[...], preferred_element_type=jnp.float32)
    xw = xw + b_ref[...]
    y_ref[...] = xw * dinv


def _tc3_body(s2_ref, dinv_ref, k_ref, wk_ref, bk_ref, alpha_ref, o_ref):
    x2 = s2_ref[...] * dinv_ref[...]
    kp = jnp.dot(k_ref[...], wk_ref[...], preferred_element_type=jnp.float32)
    kp = kp + bk_ref[...]
    a = alpha_ref[0, 0]
    o_ref[...] = a * x2 + (1.0 - a) * kp


def kernel(graph_feature, k_node_pred, edge_index, W1, b1, W2, b2, Wk, bk, alpha):
    i32 = jnp.int32
    ei = edge_index.astype(i32)
    dst_a = ei[1].reshape(32, EA_PER_TILE)
    src_b = ei[0].reshape(16, NCHUNK, CHUNK)
    dst_b = ei[1].reshape(16, NCHUNK, CHUNK)

    x_pad = jnp.pad(graph_feature, ((0, N_P - N), (0, 0)))
    b1r = b1.reshape(1, D)
    b2r = b2.reshape(1, D)
    bkr = bk.reshape(1, D)
    alpha_arr = jnp.reshape(alpha, (1, 1)).astype(jnp.float32)

    cnt = _deg_call()(dst_a)

    grid = N_P // _BLK
    y1, dinv = pl.pallas_call(
        _tc1_body,
        grid=(grid,),
        in_specs=[
            pl.BlockSpec((_BLK, D), lambda i: (i, 0)),
            pl.BlockSpec((D, D), lambda i: (0, 0)),
            pl.BlockSpec((1, D), lambda i: (0, 0)),
            pl.BlockSpec((32, _BLK), lambda i: (0, i)),
        ],
        out_specs=[
            pl.BlockSpec((_BLK, D), lambda i: (i, 0)),
            pl.BlockSpec((_BLK, 1), lambda i: (i, 0)),
        ],
        out_shape=[
            jax.ShapeDtypeStruct((N_P, D), jnp.float32),
            jax.ShapeDtypeStruct((N_P, 1), jnp.float32),
        ],
    )(x_pad, W1, b1r, cnt)

    s1 = _segsum_call()(y1, src_b, dst_b)

    y2 = pl.pallas_call(
        _tc2_body,
        grid=(grid,),
        in_specs=[
            pl.BlockSpec((_BLK, D), lambda i: (i, 0)),
            pl.BlockSpec((_BLK, 1), lambda i: (i, 0)),
            pl.BlockSpec((D, D), lambda i: (0, 0)),
            pl.BlockSpec((1, D), lambda i: (0, 0)),
        ],
        out_specs=pl.BlockSpec((_BLK, D), lambda i: (i, 0)),
        out_shape=jax.ShapeDtypeStruct((N_P, D), jnp.float32),
    )(s1, dinv, W2, b2r)

    s2 = _segsum_call()(y2, src_b, dst_b)

    blk3 = 2000
    out = pl.pallas_call(
        _tc3_body,
        grid=(N // blk3,),
        in_specs=[
            pl.BlockSpec((blk3, D), lambda i: (i, 0)),
            pl.BlockSpec((blk3, 1), lambda i: (i, 0)),
            pl.BlockSpec((blk3, 64), lambda i: (i, 0)),
            pl.BlockSpec((64, D), lambda i: (0, 0)),
            pl.BlockSpec((1, D), lambda i: (0, 0)),
            pl.BlockSpec((1, 1), lambda i: (0, 0)),
        ],
        out_specs=pl.BlockSpec((blk3, D), lambda i: (i, 0)),
        out_shape=jax.ShapeDtypeStruct((N, D), jnp.float32),
    )(s2, dinv, k_node_pred, Wk, bkr, alpha_arr)

    return out

# --- scband reference (transcript-rebuilt; emitter-appended) ---
"""Pipeline reference for scband-simple-gcnencoder-91079076479585 (READ-ONLY COPY).

The authoritative reference and input builder live on the scoring server;
editing this copy changes nothing except your own understanding.
"""

import jax, jax.numpy as jnp
import numpy as np

N_NODES = 10000
N_EDGES = 320000
D_IN = 128
D_HID = 128
D_OUT = 128
D_K = 64


def setup_inputs(seed: int = 0) -> dict:
    key = jax.random.key(seed)
    ks = jax.random.split(key, 10)
    graph_feature = jax.random.normal(ks[0], (N_NODES, D_IN), dtype=jnp.float32)
    k_node_pred = jax.random.normal(ks[1], (N_NODES, D_K), dtype=jnp.float32)
    edge_index = jax.random.randint(ks[2], (2, N_EDGES), 0, N_NODES, dtype=jnp.int64 if jax.config.jax_enable_x64 else jnp.int32)
    W1 = jax.random.normal(ks[3], (D_IN, D_HID), dtype=jnp.float32) * 0.05
    b1 = jnp.zeros((D_HID,), dtype=jnp.float32)
    W2 = jax.random.normal(ks[4], (D_HID, D_OUT), dtype=jnp.float32) * 0.05
    b2 = jnp.zeros((D_OUT,), dtype=jnp.float32)
    Wk = jax.random.normal(ks[5], (D_K, D_OUT), dtype=jnp.float32) * 0.05
    bk = jnp.zeros((D_OUT,), dtype=jnp.float32)
    alpha = jnp.asarray(0.5, dtype=jnp.float32)
    return {"graph_feature": graph_feature, "k_node_pred": k_node_pred, "edge_index": edge_index,
            "W1": W1, "b1": b1, "W2": W2, "b2": b2, "Wk": Wk, "bk": bk, "alpha": alpha}


def _gcn_conv(x, edge_index, W, b, num_nodes):
    # PyG GCNConv: add self-loops, symmetric normalization D^-1/2 A_hat D^-1/2, linear transform
    loop = jnp.arange(num_nodes, dtype=edge_index.dtype)
    src = jnp.concatenate([edge_index[0], loop])
    dst = jnp.concatenate([edge_index[1], loop])
    deg = jnp.zeros((num_nodes,), dtype=x.dtype).at[dst].add(1.0)
    dinv = jnp.where(deg > 0, 1.0 / jnp.sqrt(deg), 0.0)
    norm = dinv[src] * dinv[dst]
    xw = x @ W + b
    msg = xw[src] * norm[:, None]
    out = jnp.zeros((num_nodes, xw.shape[1]), dtype=x.dtype).at[dst].add(msg)
    return out


def reference(graph_feature, k_node_pred, edge_index, W1, b1, W2, b2, Wk, bk, alpha):
    n = graph_feature.shape[0]
    x = jax.nn.relu(_gcn_conv(graph_feature, edge_index, W1, b1, n))
    # dropout is identity in eval mode
    x = _gcn_conv(x, edge_index, W2, b2, n)
    k = k_node_pred @ Wk + bk
    out = alpha * x + (1.0 - alpha) * k
    return out

if __name__ == "__main__":
    import jax
    _d = setup_inputs()
    print(jax.jit(kernel)(*tuple(_d.values())))

</pallas_src>

<mosaic_0001>
#map = affine_map<(d0, d1) -> (0, 0)>
module attributes {stable_mosaic.version = 14 : i64} {
  func.func @_deg_body(%arg0: i32, %arg1: i32, %arg2: memref<32x10000xi32, #tpu.memory_space<hbm>>, %arg3: memref<32x10240xf32, #tpu.memory_space<hbm>>, %arg4: memref<10000xi32, #tpu.memory_space<vmem>>, %arg5: memref<10240xf32, #tpu.memory_space<vmem>>) attributes {dimension_semantics = [#tpu.dimension_semantics<core_parallel>, #tpu.dimension_semantics<subcore_parallel>], iteration_bounds = array<i64: 2, 16>, scalar_prefetch = 0 : i64, scratch_operands = 2 : i64, tpu.core_type = #tpu.core_type<sc_vector_subcore>, window_params = [{transform_indices = #map}, {transform_indices = #map}]} {
    %mul3A = arith.constant 16 : i32
    %mul3A_0 = arith.muli %arg0, %mul3A : i32
    %add3A = arith.addi %mul3A_0, %arg1 : i32
    "tpu.region"() ({
      %run_scoped3A = tpu.sem_alloc : memref<!tpu.dma_semaphore, #tpu.memory_space<semaphore_mem>>
      %dma_start3A = arith.constant 0 : i32
      %dma_start3A_20 = tpu.memref_slice %arg2[%add3A, %dma_start3A] : memref<32x10000xi32, #tpu.memory_space<hbm>> -> memref<1x10000xi32, #tpu.memory_space<hbm>>
      %dma_start3A_21 = tpu.memref_squeeze %dma_start3A_20 : memref<1x10000xi32, #tpu.memory_space<hbm>> -> memref<10000xi32, #tpu.memory_space<hbm>>
      %dma_start3A_22 = arith.constant 0 : i32
      %dma_start3A_23 = tpu.memref_slice %arg2[%add3A, %dma_start3A_22] : memref<32x10000xi32, #tpu.memory_space<hbm>> -> memref<1x10000xi32, #tpu.memory_space<hbm>>
      %dma_start3A_24 = tpu.memref_squeeze %dma_start3A_23 : memref<1x10000xi32, #tpu.memory_space<hbm>> -> memref<10000xi32, #tpu.memory_space<hbm>>
      tpu.enqueue_dma source(%dma_start3A_24 : memref<10000xi32, #tpu.memory_space<hbm>>) target(%arg4 : memref<10000xi32, #tpu.memory_space<vmem>>) target_semaphore(%run_scoped3A : memref<!tpu.dma_semaphore, #tpu.memory_space<semaphore_mem>>)
      %dma_wait3A = arith.constant 0 : i32
      %dma_wait3A_25 = tpu.memref_slice %arg2[%add3A, %dma_wait3A] : memref<32x10000xi32, #tpu.memory_space<hbm>> -> memref<1x10000xi32, #tpu.memory_space<hbm>>
      %dma_wait3A_26 = tpu.memref_squeeze %dma_wait3A_25 : memref<1x10000xi32, #tpu.memory_space<hbm>> -> memref<10000xi32, #tpu.memory_space<hbm>>
      %dma_wait3A_27 = arith.constant 0 : i32
      %dma_wait3A_28 = tpu.memref_slice %arg2[%add3A, %dma_wait3A_27] : memref<32x10000xi32, #tpu.memory_space<hbm>> -> memref<1x10000xi32, #tpu.memory_space<hbm>>
      %dma_wait3A_29 = tpu.memref_squeeze %dma_wait3A_28 : memref<1x10000xi32, #tpu.memory_space<hbm>> -> memref<10000xi32, #tpu.memory_space<hbm>>
      tpu.wait_dma2 semaphore(%run_scoped3A : memref<!tpu.dma_semaphore, #tpu.memory_space<semaphore_mem>>) src(%dma_wait3A_29 : memref<10000xi32, #tpu.memory_space<hbm>>) dst(%arg4 : memref<10000xi32, #tpu.memory_space<vmem>>)
      tpu.yield
    }) : () -> ()
    %broadcast_in_dim3A = arith.constant 0.000000e+00 : f32
    %broadcast_in_dim3A_1 = vector.broadcast %broadcast_in_dim3A : f32 to vector<16xf32>
    %scan3A = arith.constant 0 : i32
    %scan3A_2 = arith.constant 0 : i32
    %scan3A_3 = arith.constant 640 : i32
    %scan3A_4 = arith.addi %scan3A_2, %scan3A_3 : i32
    %scan3A_5 = arith.constant 8 : i32
    scf.for %scan3A_20 = %scan3A_2 to %scan3A_4 step %scan3A_5  : i32 {
      %mul3A_21 = arith.constant 16 : i32
      %mul3A_22 = arith.muli %scan3A_20, %mul3A_21 : i32
      %swap3A = arith.index_cast %mul3A_22 : i32 to index
      %swap3A_23 = tpu.vector_load %arg5[%swap3A] {strides = array<i32>} : memref<10240xf32, #tpu.memory_space<vmem>>, vector<16xf32>,
      tpu.vector_store %arg5[%swap3A], %broadcast_in_dim3A_1 {strides = array<i32>} : memref<10240xf32, #tpu.memory_space<vmem>>, vector<16xf32>,
      %scan3A_24 = arith.constant 1 : i32
      %scan3A_25 = arith.addi %scan3A_20, %scan3A_24 : i32
      %mul3A_26 = arith.constant 16 : i32
      %mul3A_27 = arith.muli %scan3A_25, %mul3A_26 : i32
      %swap3A_28 = arith.index_cast %mul3A_27 : i32 to index
      %swap3A_29 = tpu.vector_load %arg5[%swap3A_28] {strides = array<i32>} : memref<10240xf32, #tpu.memory_space<vmem>>, vector<16xf32>,
      tpu.vector_store %arg5[%swap3A_28], %broadcast_in_dim3A_1 {strides = array<i32>} : memref<10240xf32, #tpu.memory_space<vmem>>, vector<16xf32>,
      %scan3A_30 = arith.constant 2 : i32
      %scan3A_31 = arith.addi %scan3A_20, %scan3A_30 : i32
      %mul3A_32 = arith.constant 16 : i32
      %mul3A_33 = arith.muli %scan3A_31, %mul3A_32 : i32
      %swap3A_34 = arith.index_cast %mul3A_33 : i32 to index
      %swap3A_35 = tpu.vector_load %arg5[%swap3A_34] {strides = array<i32>} : memref<10240xf32, #tpu.memory_space<vmem>>, vector<16xf32>,
      tpu.vector_store %arg5[%swap3A_34], %broadcast_in_dim3A_1 {strides = array<i32>} : memref<10240xf32, #tpu.memory_space<vmem>>, vector<16xf32>,
      %scan3A_36 = arith.constant 3 : i32
      %scan3A_37 = arith.addi %scan3A_20, %scan3A_36 : i32
      %mul3A_38 = arith.constant 16 : i32
      %mul3A_39 = arith.muli %scan3A_37, %mul3A_38 : i32
      %swap3A_40 = arith.index_cast %mul3A_39 : i32 to index
      %swap3A_41 = tpu.vector_load %arg5[%swap3A_40] {strides = array<i32>} : memref<10240xf32, #tpu.memory_space<vmem>>, vector<16xf32>,
      tpu.vector_store %arg5[%swap3A_40], %broadcast_in_dim3A_1 {strides = array<i32>} : memref<10240xf32, #tpu.memory_space<vmem>>, vector<16xf32>,
      %scan3A_42 = arith.constant 4 : i32
      %scan3A_43 = arith.addi %scan3A_20, %scan3A_42 : i32
      %mul3A_44 = arith.constant 16 : i32
      %mul3A_45 = arith.muli %scan3A_43, %mul3A_44 : i32
      %swap3A_46 = arith.index_cast %mul3A_45 : i32 to index
      %swap3A_47 = tpu.vector_load %arg5[%swap3A_46] {strides = array<i32>} : memref<10240xf32, #tpu.memory_space<vmem>>, vector<16xf32>,
      tpu.vector_store %arg5[%swap3A_46], %broadcast_in_dim3A_1 {strides = array<i32>} : memref<10240xf32, #tpu.memory_space<vmem>>, vector<16xf32>,
      %scan3A_48 = arith.constant 5 : i32
      %scan3A_49 = arith.addi %scan3A_20, %scan3A_48 : i32
      %mul3A_50 = arith.constant 16 : i32
      %mul3A_51 = arith.muli %scan3A_49, %mul3A_50 : i32
      %swap3A_52 = arith.index_cast %mul3A_51 : i32 to index
      %swap3A_53 = tpu.vector_load %arg5[%swap3A_52] {strides = array<i32>} : memref<10240xf32, #tpu.memory_space<vmem>>, vector<16xf32>,
      tpu.vector_store %arg5[%swap3A_52], %broadcast_in_dim3A_1 {strides = array<i32>} : memref<10240xf32, #tpu.memory_space<vmem>>, vector<16xf32>,
      %scan3A_54 = arith.constant 6 : i32
      %scan3A_55 = arith.addi %scan3A_20, %scan3A_54 : i32
      %mul3A_56 = arith.constant 16 : i32
      %mul3A_57 = arith.muli %scan3A_55, %mul3A_56 : i32
      %swap3A_58 = arith.index_cast %mul3A_57 : i32 to index
      %swap3A_59 = tpu.vector_load %arg5[%swap3A_58] {strides = array<i32>} : memref<10240xf32, #tpu.memory_space<vmem>>, vector<16xf32>,
      tpu.vector_store %arg5[%swap3A_58], %broadcast_in_dim3A_1 {strides = array<i32>} : memref<10240xf32, #tpu.memory_space<vmem>>, vector<16xf32>,
      %scan3A_60 = arith.constant 7 : i32
      %scan3A_61 = arith.addi %scan3A_20, %scan3A_60 : i32
      %mul3A_62 = arith.constant 16 : i32
      %mul3A_63 = arith.muli %scan3A_61, %mul3A_62 : i32
      %swap3A_64 = arith.index_cast %mul3A_63 : i32 to index
      %swap3A_65 = tpu.vector_load %arg5[%swap3A_64] {strides = array<i32>} : memref<10240xf32, #tpu.memory_space<vmem>>, vector<16xf32>,
      tpu.vector_store %arg5[%swap3A_64], %broadcast_in_dim3A_1 {strides = array<i32>} : memref<10240xf32, #tpu.memory_space<vmem>>, vector<16xf32>,
    }
    %scan3A_6 = arith.constant 640 : i32
    %broadcast_in_dim3A_7 = arith.constant 1.000000e+00 : f32
    %broadcast_in_dim3A_8 = vector.broadcast %broadcast_in_dim3A_7 : f32 to vector<16xf32>
    %scan3A_9 = arith.constant 0 : i32
    %scan3A_10 = arith.constant 0 : i32
    %scan3A_11 = arith.constant 624 : i32
    %scan3A_12 = arith.addi %scan3A_10, %scan3A_11 : i32
    %scan3A_13 = arith.constant 8 : i32
    scf.for %scan3A_20 = %scan3A_10 to %scan3A_12 step %scan3A_13  : i32 {
      %mul3A_21 = arith.constant 16 : i32
      %mul3A_22 = arith.muli %scan3A_20, %mul3A_21 : i32
      %get3A_23 = arith.index_cast %mul3A_22 : i32 to index
      %get3A_24 = tpu.vector_load %arg4[%get3A_23] {strides = array<i32>} : memref<10000xi32, #tpu.memory_space<vmem>>, vector<16xi32>,
      tpu.vector_store_idx %arg5[%get3A_24], %broadcast_in_dim3A_8 {add = true} : memref<10240xf32, #tpu.memory_space<vmem>>[vector<16xi32>], vector<16xf32>,
      %scan3A_25 = arith.constant 1 : i32
      %scan3A_26 = arith.addi %scan3A_20, %scan3A_25 : i32
      %mul3A_27 = arith.constant 16 : i32
      %mul3A_28 = arith.muli %scan3A_26, %mul3A_27 : i32
      %get3A_29 = arith.index_cast %mul3A_28 : i32 to index
      %get3A_30 = tpu.vector_load %arg4[%get3A_29] {strides = array<i32>} : memref<10000xi32, #tpu.memory_space<vmem>>, vector<16xi32>,
      tpu.vector_store_idx %arg5[%get3A_30], %broadcast_in_dim3A_8 {add = true} : memref<10240xf32, #tpu.memory_space<vmem>>[vector<16xi32>], vector<16xf32>,
      %scan3A_31 = arith.constant 2 : i32
      %scan3A_32 = arith.addi %scan3A_20, %scan3A_31 : i32
      %mul3A_33 = arith.constant 16 : i32
      %mul3A_34 = arith.muli %scan3A_32, %mul3A_33 : i32
      %get3A_35 = arith.index_cast %mul3A_34 : i32 to index
      %get3A_36 = tpu.vector_load %arg4[%get3A_35] {strides = array<i32>} : memref<10000xi32, #tpu.memory_space<vmem>>, vector<16xi32>,
      tpu.vector_store_idx %arg5[%get3A_36], %broadcast_in_dim3A_8 {add = true} : memref<10240xf32, #tpu.memory_space<vmem>>[vector<16xi32>], vector<16xf32>,
      %scan3A_37 = arith.constant 3 : i32
      %scan3A_38 = arith.addi %scan3A_20, %scan3A_37 : i32
      %mul3A_39 = arith.constant 16 : i32
      %mul3A_40 = arith.muli %scan3A_38, %mul3A_39 : i32
      %get3A_41 = arith.index_cast %mul3A_40 : i32 to index
      %get3A_42 = tpu.vector_load %arg4[%get3A_41] {strides = array<i32>} : memref<10000xi32, #tpu.memory_space<vmem>>, vector<16xi32>,
      tpu.vector_store_idx %arg5[%get3A_42], %broadcast_in_dim3A_8 {add = true} : memref<10240xf32, #tpu.memory_space<vmem>>[vector<16xi32>], vector<16xf32>,
      %scan3A_43 = arith.constant 4 : i32
      %scan3A_44 = arith.addi %scan3A_20, %scan3A_43 : i32
      %mul3A_45 = arith.constant 16 : i32
      %mul3A_46 = arith.muli %scan3A_44, %mul3A_45 : i32
      %get3A_47 = arith.index_cast %mul3A_46 : i32 to index
      %get3A_48 = tpu.vector_load %arg4[%get3A_47] {strides = array<i32>} : memref<10000xi32, #tpu.memory_space<vmem>>, vector<16xi32>,
      tpu.vector_store_idx %arg5[%get3A_48], %broadcast_in_dim3A_8 {add = true} : memref<10240xf32, #tpu.memory_space<vmem>>[vector<16xi32>], vector<16xf32>,
      %scan3A_49 = arith.constant 5 : i32
      %scan3A_50 = arith.addi %scan3A_20, %scan3A_49 : i32
      %mul3A_51 = arith.constant 16 : i32
      %mul3A_52 = arith.muli %scan3A_50, %mul3A_51 : i32
      %get3A_53 = arith.index_cast %mul3A_52 : i32 to index
      %get3A_54 = tpu.vector_load %arg4[%get3A_53] {strides = array<i32>} : memref<10000xi32, #tpu.memory_space<vmem>>, vector<16xi32>,
      tpu.vector_store_idx %arg5[%get3A_54], %broadcast_in_dim3A_8 {add = true} : memref<10240xf32, #tpu.memory_space<vmem>>[vector<16xi32>], vector<16xf32>,
      %scan3A_55 = arith.constant 6 : i32
      %scan3A_56 = arith.addi %scan3A_20, %scan3A_55 : i32
      %mul3A_57 = arith.constant 16 : i32
      %mul3A_58 = arith.muli %scan3A_56, %mul3A_57 : i32
      %get3A_59 = arith.index_cast %mul3A_58 : i32 to index
      %get3A_60 = tpu.vector_load %arg4[%get3A_59] {strides = array<i32>} : memref<10000xi32, #tpu.memory_space<vmem>>, vector<16xi32>,
      tpu.vector_store_idx %arg5[%get3A_60], %broadcast_in_dim3A_8 {add = true} : memref<10240xf32, #tpu.memory_space<vmem>>[vector<16xi32>], vector<16xf32>,
      %scan3A_61 = arith.constant 7 : i32
      %scan3A_62 = arith.addi %scan3A_20, %scan3A_61 : i32
      %mul3A_63 = arith.constant 16 : i32
      %mul3A_64 = arith.muli %scan3A_62, %mul3A_63 : i32
      %get3A_65 = arith.index_cast %mul3A_64 : i32 to index
      %get3A_66 = tpu.vector_load %arg4[%get3A_65] {strides = array<i32>} : memref<10000xi32, #tpu.memory_space<vmem>>, vector<16xi32>,
      tpu.vector_store_idx %arg5[%get3A_66], %broadcast_in_dim3A_8 {add = true} : memref<10240xf32, #tpu.memory_space<vmem>>[vector<16xi32>], vector<16xf32>,
    }
    %scan3A_14 = arith.constant 624 : i32
    %scan3A_15 = arith.addi %scan3A_10, %scan3A_14 : i32
    %mul3A_16 = arith.constant 16 : i32
    %mul3A_17 = arith.muli %scan3A_15, %mul3A_16 : i32
    %get3A = arith.index_cast %mul3A_17 : i32 to index
    %get3A_18 = tpu.vector_load %arg4[%get3A] {strides = array<i32>} : memref<10000xi32, #tpu.memory_space<vmem>>, vector<16xi32>,
    tpu.vector_store_idx %arg5[%get3A_18], %broadcast_in_dim3A_8 {add = true} : memref<10240xf32, #tpu.memory_space<vmem>>[vector<16xi32>], vector<16xf32>,
    %scan3A_19 = arith.constant 625 : i32
    "tpu.region"() ({
      %run_scoped3A = tpu.sem_alloc : memref<!tpu.dma_semaphore, #tpu.memory_space<semaphore_mem>>
      %dma_start3A = arith.constant 0 : i32
      %dma_start3A_20 = tpu.memref_slice %arg3[%add3A, %dma_start3A] : memref<32x10240xf32, #tpu.memory_space<hbm>> -> memref<1x10240xf32, #tpu.memory_space<hbm>>
      %dma_start3A_21 = tpu.memref_squeeze %dma_start3A_20 : memref<1x10240xf32, #tpu.memory_space<hbm>> -> memref<10240xf32, #tpu.memory_space<hbm>>
      %dma_start3A_22 = arith.constant 0 : i32
      %dma_start3A_23 = tpu.memref_slice %arg3[%add3A, %dma_start3A_22] : memref<32x10240xf32, #tpu.memory_space<hbm>> -> memref<1x10240xf32, #tpu.memory_space<hbm>>
      %dma_start3A_24 = tpu.memref_squeeze %dma_start3A_23 : memref<1x10240xf32, #tpu.memory_space<hbm>> -> memref<10240xf32, #tpu.memory_space<hbm>>
      tpu.enqueue_dma source(%arg5 : memref<10240xf32, #tpu.memory_space<vmem>>) target(%dma_start3A_24 : memref<10240xf32, #tpu.memory_space<hbm>>) target_semaphore(%run_scoped3A : memref<!tpu.dma_semaphore, #tpu.memory_space<semaphore_mem>>)
      %dma_wait3A = arith.constant 0 : i32
      %dma_wait3A_25 = tpu.memref_slice %arg3[%add3A, %dma_wait3A] : memref<32x10240xf32, #tpu.memory_space<hbm>> -> memref<1x10240xf32, #tpu.memory_space<hbm>>
      %dma_wait3A_26 = tpu.memref_squeeze %dma_wait3A_25 : memref<1x10240xf32, #tpu.memory_space<hbm>> -> memref<10240xf32, #tpu.memory_space<hbm>>
      %dma_wait3A_27 = arith.constant 0 : i32
      %dma_wait3A_28 = tpu.memref_slice %arg3[%add3A, %dma_wait3A_27] : memref<32x10240xf32, #tpu.memory_space<hbm>> -> memref<1x10240xf32, #tpu.memory_space<hbm>>
      %dma_wait3A_29 = tpu.memref_squeeze %dma_wait3A_28 : memref<1x10240xf32, #tpu.memory_space<hbm>> -> memref<10240xf32, #tpu.memory_space<hbm>>
      tpu.wait_dma2 semaphore(%run_scoped3A : memref<!tpu.dma_semaphore, #tpu.memory_space<semaphore_mem>>) src(%arg5 : memref<10240xf32, #tpu.memory_space<vmem>>) dst(%dma_wait3A_29 : memref<10240xf32, #tpu.memory_space<hbm>>)
      tpu.yield
    }) : () -> ()
    return
  }
}

#map = affine_map<(d0, d1) -> (0, 0)>
#map1 = affine_map<(d0, d1) -> (0, 0, 0)>
module attributes {stable_mosaic.version = 14 : i64} {
  func.func @_segsum_body(%arg0: i32, %arg1: i32, %arg2: memref<10240x128xf32, #tpu.memory_space<hbm>>, %arg3: memref<16x160x125xi32, #tpu.memory_space<hbm>>, %arg4: memref<16x160x125xi32, #tpu.memory_space<hbm>>, %arg5: memref<10240x128xf32, #tpu.memory_space<hbm>>, %arg6: memref<10240x64xf32, #tpu.memory_space<vmem_shared>>, %arg7: memref<10240x64xf32, #tpu.memory_space<vmem_shared>>, %arg8: memref<80x125xi32, #tpu.memory_space<vmem>>, %arg9: memref<80x125xi32, #tpu.memory_space<vmem>>, %arg10: memref<125x64xf32, #tpu.memory_space<vmem>>, %arg11: memref<125x64xf32, #tpu.memory_space<vmem>>, %arg12: memref<!tpu.dma_semaphore, #tpu.memory_space<semaphore_mem>>, %arg13: memref<!tpu.dma_semaphore, #tpu.memory_space<semaphore_mem>>) attributes {dimension_semantics = [#tpu.dimension_semantics<core_parallel>, #tpu.dimension_semantics<subcore_parallel>], iteration_bounds = array<i64: 2, 16>, scalar_prefetch = 0 : i64, scratch_operands = 8 : i64, tpu.core_type = #tpu.core_type<sc_vector_subcore>, window_params = [{transform_indices = #map}, {transform_indices = #map1}, {transform_indices = #map1}, {transform_indices = #map}]} {
    %mul3A = arith.constant 640 : i32
    %mul3A_0 = arith.muli %arg1, %mul3A : i32
    %mul3A_1 = arith.constant 64 : i32
    %mul3A_2 = arith.muli %arg0, %mul3A_1 : i32
    "tpu.region"() ({
      %run_scoped3A = tpu.sem_alloc : memref<!tpu.dma_semaphore, #tpu.memory_space<semaphore_mem>>
      %dma_start3A = arith.constant 0 : i32
      %dma_start3A_9 = tpu.memref_slice %arg6[%mul3A_0, %dma_start3A] : memref<10240x64xf32, #tpu.memory_space<vmem_shared>> -> memref<640x64xf32, #tpu.memory_space<vmem_shared>>
      %dma_start3A_10 = tpu.memref_slice %arg2[%mul3A_0, %mul3A_2] : memref<10240x128xf32, #tpu.memory_space<hbm>> -> memref<640x64xf32, #tpu.memory_space<hbm>>
      tpu.enqueue_dma source(%dma_start3A_10 : memref<640x64xf32, #tpu.memory_space<hbm>>) target(%dma_start3A_9 : memref<640x64xf32, #tpu.memory_space<vmem_shared>>) target_semaphore(%run_scoped3A : memref<!tpu.dma_semaphore, #tpu.memory_space<semaphore_mem>>)
      %dma_wait3A = arith.constant 0 : i32
      %dma_wait3A_11 = tpu.memref_slice %arg6[%mul3A_0, %dma_wait3A] : memref<10240x64xf32, #tpu.memory_space<vmem_shared>> -> memref<640x64xf32, #tpu.memory_space<vmem_shared>>
      %dma_wait3A_12 = tpu.memref_slice %arg2[%mul3A_0, %mul3A_2] : memref<10240x128xf32, #tpu.memory_space<hbm>> -> memref<640x64xf32, #tpu.memory_space<hbm>>
      tpu.wait_dma2 semaphore(%run_scoped3A : memref<!tpu.dma_semaphore, #tpu.memory_space<semaphore_mem>>) src(%dma_wait3A_12 : memref<640x64xf32, #tpu.memory_space<hbm>>) dst(%dma_wait3A_11 : memref<640x64xf32, #tpu.memory_space<vmem_shared>>)
      tpu.yield
    }) : () -> ()
    "tpu.region"() ({
      %run_scoped3A = tpu.sem_alloc : memref<!tpu.dma_semaphore, #tpu.memory_space<semaphore_mem>>
      %dma_start3A = arith.constant 0 : i32
      %dma_start3A_9 = tpu.memref_slice %arg7[%mul3A_0, %dma_start3A] : memref<10240x64xf32, #tpu.memory_space<vmem_shared>> -> memref<640x64xf32, #tpu.memory_space<vmem_shared>>
      %dma_start3A_10 = tpu.memref_slice %arg2[%mul3A_0, %mul3A_2] : memref<10240x128xf32, #tpu.memory_space<hbm>> -> memref<640x64xf32, #tpu.memory_space<hbm>>
      tpu.enqueue_dma source(%dma_start3A_10 : memref<640x64xf32, #tpu.memory_space<hbm>>) target(%dma_start3A_9 : memref<640x64xf32, #tpu.memory_space<vmem_shared>>) target_semaphore(%run_scoped3A : memref<!tpu.dma_semaphore, #tpu.memory_space<semaphore_mem>>)
      %dma_wait3A = arith.constant 0 : i32
      %dma_wait3A_11 = tpu.memref_slice %arg7[%mul3A_0, %dma_wait3A] : memref<10240x64xf32, #tpu.memory_space<vmem_shared>> -> memref<640x64xf32, #tpu.memory_space<vmem_shared>>
      %dma_wait3A_12 = tpu.memref_slice %arg2[%mul3A_0, %mul3A_2] : memref<10240x128xf32, #tpu.memory_space<hbm>> -> memref<640x64xf32, #tpu.memory_space<hbm>>
      tpu.wait_dma2 semaphore(%run_scoped3A : memref<!tpu.dma_semaphore, #tpu.memory_space<semaphore_mem>>) src(%dma_wait3A_12 : memref<640x64xf32, #tpu.memory_space<hbm>>) dst(%dma_wait3A_11 : memref<640x64xf32, #tpu.memory_space<vmem_shared>>)
      tpu.yield
    }) : () -> ()
    %barrier3A = arith.constant 0 : index
    tpu.barrier barrier_id(%barrier3A)
    %scan3A = arith.constant 0 : i32
    %scan3A_3 = arith.constant 0 : i32
    %scan3A_4 = arith.constant 2 : i32
    %scan3A_5 = arith.addi %scan3A_3, %scan3A_4 : i32
    %scan3A_6 = arith.constant 1 : i32
    scf.for %scan3A_9 = %scan3A_3 to %scan3A_5 step %scan3A_6  : i32 {
      %mul3A_10 = arith.constant 80 : i32
      %mul3A_11 = arith.muli %scan3A_9, %mul3A_10 : i32
      "tpu.region"() ({
        %run_scoped3A = tpu.sem_alloc : memref<!tpu.dma_semaphore, #tpu.memory_space<semaphore_mem>>
        %dma_start3A_33 = arith.constant 0 : i32
        %dma_start3A_34 = tpu.memref_slice %arg3[%arg1, %mul3A_11, %dma_start3A_33] : memref<16x160x125xi32, #tpu.memory_space<hbm>> -> memref<1x80x125xi32, #tpu.memory_space<hbm>>
        %dma_start3A_35 = tpu.memref_squeeze %dma_start3A_34 : memref<1x80x125xi32, #tpu.memory_space<hbm>> -> memref<80x125xi32, #tpu.memory_space<hbm>>
        %dma_start3A_36 = arith.constant 0 : i32
        %dma_start3A_37 = tpu.memref_slice %arg3[%arg1, %mul3A_11, %dma_start3A_36] : memref<16x160x125xi32, #tpu.memory_space<hbm>> -> memref<1x80x125xi32, #tpu.memory_space<hbm>>
        %dma_start3A_38 = tpu.memref_squeeze %dma_start3A_37 : memref<1x80x125xi32, #tpu.memory_space<hbm>> -> memref<80x125xi32, #tpu.memory_space<hbm>>
        tpu.enqueue_dma source(%dma_start3A_38 : memref<80x125xi32, #tpu.memory_space<hbm>>) target(%arg8 : memref<80x125xi32, #tpu.memory_space<vmem>>) target_semaphore(%run_scoped3A : memref<!tpu.dma_semaphore, #tpu.memory_space<semaphore_mem>>)
        %dma_wait3A = arith.constant 0 : i32
        %dma_wait3A_39 = tpu.memref_slice %arg3[%arg1, %mul3A_11, %dma_wait3A] : memref<16x160x125xi32, #tpu.memory_space<hbm>> -> memref<1x80x125xi32, #tpu.memory_space<hbm>>
        %dma_wait3A_40 = tpu.memref_squeeze %dma_wait3A_39 : memref<1x80x125xi32, #tpu.memory_space<hbm>> -> memref<80x125xi32, #tpu.memory_space<hbm>>
        %dma_wait3A_41 = arith.constant 0 : i32
        %dma_wait3A_42 = tpu.memref_slice %arg3[%arg1, %mul3A_11, %dma_wait3A_41] : memref<16x160x125xi32, #tpu.memory_space<hbm>> -> memref<1x80x125xi32, #tpu.memory_space<hbm>>
        %dma_wait3A_43 = tpu.memref_squeeze %dma_wait3A_42 : memref<1x80x125xi32, #tpu.memory_space<hbm>> -> memref<80x125xi32, #tpu.memory_space<hbm>>
        tpu.wait_dma2 semaphore(%run_scoped3A : memref<!tpu.dma_semaphore, #tpu.memory_space<semaphore_mem>>) src(%dma_wait3A_43 : memref<80x125xi32, #tpu.memory_space<hbm>>) dst(%arg8 : memref<80x125xi32, #tpu.memory_space<vmem>>)
        tpu.yield
      }) : () -> ()
      %mul3A_12 = arith.constant 80 : i32
      %mul3A_13 = arith.muli %scan3A_9, %mul3A_12 : i32
      "tpu.region"() ({
        %run_scoped3A = tpu.sem_alloc : memref<!tpu.dma_semaphore, #tpu.memory_space<semaphore_mem>>
        %dma_start3A_33 = arith.constant 0 : i32
        %dma_start3A_34 = tpu.memref_slice %arg4[%arg1, %mul3A_13, %dma_start3A_33] : memref<16x160x125xi32, #tpu.memory_space<hbm>> -> memref<1x80x125xi32, #tpu.memory_space<hbm>>
        %dma_start3A_35 = tpu.memref_squeeze %dma_start3A_34 : memref<1x80x125xi32, #tpu.memory_space<hbm>> -> memref<80x125xi32, #tpu.memory_space<hbm>>
        %dma_start3A_36 = arith.constant 0 : i32
        %dma_start3A_37 = tpu.memref_slice %arg4[%arg1, %mul3A_13, %dma_start3A_36] : memref<16x160x125xi32, #tpu.memory_space<hbm>> -> memref<1x80x125xi32, #tpu.memory_space<hbm>>
        %dma_start3A_38 = tpu.memref_squeeze %dma_start3A_37 : memref<1x80x125xi32, #tpu.memory_space<hbm>> -> memref<80x125xi32, #tpu.memory_space<hbm>>
        tpu.enqueue_dma source(%dma_start3A_38 : memref<80x125xi32, #tpu.memory_space<hbm>>) target(%arg9 : memref<80x125xi32, #tpu.memory_space<vmem>>) target_semaphore(%run_scoped3A : memref<!tpu.dma_semaphore, #tpu.memory_space<semaphore_mem>>)
        %dma_wait3A = arith.constant 0 : i32
        %dma_wait3A_39 = tpu.memref_slice %arg4[%arg1, %mul3A_13, %dma_wait3A] : memref<16x160x125xi32, #tpu.memory_space<hbm>> -> memref<1x80x125xi32, #tpu.memory_space<hbm>>
        %dma_wait3A_40 = tpu.memref_squeeze %dma_wait3A_39 : memref<1x80x125xi32, #tpu.memory_space<hbm>> -> memref<80x125xi32, #tpu.memory_space<hbm>>
        %dma_wait3A_41 = arith.constant 0 : i32
        %dma_wait3A_42 = tpu.memref_slice %arg4[%arg1, %mul3A_13, %dma_wait3A_41] : memref<16x160x125xi32, #tpu.memory_space<hbm>> -> memref<1x80x125xi32, #tpu.memory_space<hbm>>
        %dma_wait3A_43 = tpu.memref_squeeze %dma_wait3A_42 : memref<1x80x125xi32, #tpu.memory_space<hbm>> -> memref<80x125xi32, #tpu.memory_space<hbm>>
        tpu.wait_dma2 semaphore(%run_scoped3A : memref<!tpu.dma_semaphore, #tpu.memory_space<semaphore_mem>>) src(%dma_wait3A_43 : memref<80x125xi32, #tpu.memory_space<hbm>>) dst(%arg9 : memref<80x125xi32, #tpu.memory_space<vmem>>)
        tpu.yield
      }) : () -> ()
      %dma_start3A = arith.constant 0 : i32
      %dma_start3A_14 = arith.constant 0 : i32
      %dma_start3A_15 = tpu.memref_slice %arg8[%dma_start3A, %dma_start3A_14] : memref<80x125xi32, #tpu.memory_space<vmem>> -> memref<1x125xi32, #tpu.memory_space<vmem>>
      %dma_start3A_16 = tpu.memref_squeeze %dma_start3A_15 : memref<1x125xi32, #tpu.memory_space<vmem>> -> memref<125xi32, #tpu.memory_space<vmem>>
      %dma_start3A_17 = arith.constant 0 : i32
      %dma_start3A_18 = arith.constant 0 : i32
      %dma_start3A_19 = tpu.memref_slice %arg6[%dma_start3A_17, %dma_start3A_18] : memref<10240x64xf32, #tpu.memory_space<vmem_shared>> -> memref<10240x64xf32, #tpu.memory_space<vmem_shared>>
      tpu.enqueue_indirect_dma source(%dma_start3A_19 : memref<10240x64xf32, #tpu.memory_space<vmem_shared>>) target(%arg10 : memref<125x64xf32, #tpu.memory_space<vmem>>) offsets(%dma_start3A_16 : memref<125xi32, #tpu.memory_space<vmem>>) semaphore(%arg12 : memref<!tpu.dma_semaphore, #tpu.memory_space<semaphore_mem>>)
      %dma_start3A_20 = arith.constant 1 : i32
      %dma_start3A_21 = arith.constant 0 : i32
      %dma_start3A_22 = tpu.memref_slice %arg8[%dma_start3A_20, %dma_start3A_21] : memref<80x125xi32, #tpu.memory_space<vmem>> -> memref<1x125xi32, #tpu.memory_space<vmem>>
      %dma_start3A_23 = tpu.memref_squeeze %dma_start3A_22 : memref<1x125xi32, #tpu.memory_space<vmem>> -> memref<125xi32, #tpu.memory_space<vmem>>
      %dma_start3A_24 = arith.constant 0 : i32
      %dma_start3A_25 = arith.constant 0 : i32
      %dma_start3A_26 = tpu.memref_slice %arg6[%dma_start3A_24, %dma_start3A_25] : memref<10240x64xf32, #tpu.memory_space<vmem_shared>> -> memref<10240x64xf32, #tpu.memory_space<vmem_shared>>
      tpu.enqueue_indirect_dma source(%dma_start3A_26 : memref<10240x64xf32, #tpu.memory_space<vmem_shared>>) target(%arg11 : memref<125x64xf32, #tpu.memory_space<vmem>>) offsets(%dma_start3A_23 : memref<125xi32, #tpu.memory_space<vmem>>) semaphore(%arg13 : memref<!tpu.dma_semaphore, #tpu.memory_space<semaphore_mem>>)
      %scan3A_27 = arith.constant 0 : i32
      %scan3A_28 = arith.constant 0 : i32
      %scan3A_29 = arith.constant 40 : i32
      %scan3A_30 = arith.addi %scan3A_28, %scan3A_29 : i32
      %scan3A_31 = arith.constant 1 : i32
      scf.for %scan3A_33 = %scan3A_28 to %scan3A_30 step %scan3A_31  : i32 {
        %mul3A_34 = arith.constant 2 : i32
        %mul3A_35 = arith.muli %mul3A_34, %scan3A_33 : i32
        %dma_wait3A = arith.constant 0 : i32
        %dma_wait3A_36 = tpu.memref_slice %arg8[%mul3A_35, %dma_wait3A] : memref<80x125xi32, #tpu.memory_space<vmem>> -> memref<1x125xi32, #tpu.memory_space<vmem>>
        %dma_wait3A_37 = tpu.memref_squeeze %dma_wait3A_36 : memref<1x125xi32, #tpu.memory_space<vmem>> -> memref<125xi32, #tpu.memory_space<vmem>>
        %dma_wait3A_38 = arith.constant 0 : i32
        %dma_wait3A_39 = arith.constant 0 : i32
        %dma_wait3A_40 = tpu.memref_slice %arg6[%dma_wait3A_38, %dma_wait3A_39] : memref<10240x64xf32, #tpu.memory_space<vmem_shared>> -> memref<10240x64xf32, #tpu.memory_space<vmem_shared>>
        tpu.wait_indirect_dma semaphore(%arg12 : memref<!tpu.dma_semaphore, #tpu.memory_space<semaphore_mem>>) src(%dma_wait3A_40 : memref<10240x64xf32, #tpu.memory_space<vmem_shared>>) dst(%arg10 : memref<125x64xf32, #tpu.memory_space<vmem>>)
        "tpu.region"() ({
          %run_scoped3A = tpu.sem_alloc : memref<!tpu.dma_semaphore, #tpu.memory_space<semaphore_mem>>
          %dma_start3A_61 = arith.constant 0 : i32
          %dma_start3A_62 = tpu.memref_slice %arg9[%mul3A_35, %dma_start3A_61] : memref<80x125xi32, #tpu.memory_space<vmem>> -> memref<1x125xi32, #tpu.memory_space<vmem>>
          %dma_start3A_63 = tpu.memref_squeeze %dma_start3A_62 : memref<1x125xi32, #tpu.memory_space<vmem>> -> memref<125xi32, #tpu.memory_space<vmem>>
          %dma_start3A_64 = arith.constant 0 : i32
          %dma_start3A_65 = arith.constant 0 : i32
          %dma_start3A_66 = tpu.memref_slice %arg7[%dma_start3A_64, %dma_start3A_65] : memref<10240x64xf32, #tpu.memory_space<vmem_shared>> -> memref<10240x64xf32, #tpu.memory_space<vmem_shared>>
          tpu.enqueue_indirect_dma source(%arg10 : memref<125x64xf32, #tpu.memory_space<vmem>>) target(%dma_start3A_66 : memref<10240x64xf32, #tpu.memory_space<vmem_shared>>) offsets(%dma_start3A_63 : memref<125xi32, #tpu.memory_space<vmem>>) semaphore(%run_scoped3A : memref<!tpu.dma_semaphore, #tpu.memory_space<semaphore_mem>>) {add = true}
          %dma_wait3A_67 = arith.constant 0 : i32
          %dma_wait3A_68 = tpu.memref_slice %arg9[%mul3A_35, %dma_wait3A_67] : memref<80x125xi32, #tpu.memory_space<vmem>> -> memref<1x125xi32, #tpu.memory_space<vmem>>
          %dma_wait3A_69 = tpu.memref_squeeze %dma_wait3A_68 : memref<1x125xi32, #tpu.memory_space<vmem>> -> memref<125xi32, #tpu.memory_space<vmem>>
          %dma_wait3A_70 = arith.constant 0 : i32
          %dma_wait3A_71 = arith.constant 0 : i32
          %dma_wait3A_72 = tpu.memref_slice %arg7[%dma_wait3A_70, %dma_wait3A_71] : memref<10240x64xf32, #tpu.memory_space<vmem_shared>> -> memref<10240x64xf32, #tpu.memory_space<vmem_shared>>
          tpu.wait_indirect_dma semaphore(%run_scoped3A : memref<!tpu.dma_semaphore, #tpu.memory_space<semaphore_mem>>) src(%arg10 : memref<125x64xf32, #tpu.memory_space<vmem>>) dst(%dma_wait3A_72 : memref<10240x64xf32, #tpu.memory_space<vmem_shared>>)
          tpu.yield
        }) : () -> ()
        %add3A = arith.constant 2 : i32
        %add3A_41 = arith.addi %mul3A_35, %add3A : i32
        %lt3A = arith.constant 80 : i32
        %lt3A_42 = arith.cmpi slt, %add3A_41, %lt3A : i32
        %convert_element_type3A = arith.extui %lt3A_42 : i1 to i32
        %cond3A = arith.constant 0 : i32
        %cond3A_43 = arith.cmpi ne, %convert_element_type3A, %cond3A : i32
        scf.if %cond3A_43 {
          %add3A_61 = arith.constant 2 : i32
          %add3A_62 = arith.addi %mul3A_35, %add3A_61 : i32
          %dma_start3A_63 = arith.constant 0 : i32
          %dma_start3A_64 = tpu.memref_slice %arg8[%add3A_62, %dma_start3A_63] : memref<80x125xi32, #tpu.memory_space<vmem>> -> memref<1x125xi32, #tpu.memory_space<vmem>>
          %dma_start3A_65 = tpu.memref_squeeze %dma_start3A_64 : memref<1x125xi32, #tpu.memory_space<vmem>> -> memref<125xi32, #tpu.memory_space<vmem>>
          %dma_start3A_66 = arith.constant 0 : i32
          %dma_start3A_67 = arith.constant 0 : i32
          %dma_start3A_68 = tpu.memref_slice %arg6[%dma_start3A_66, %dma_start3A_67] : memref<10240x64xf32, #tpu.memory_space<vmem_shared>> -> memref<10240x64xf32, #tpu.memory_space<vmem_shared>>
          tpu.enqueue_indirect_dma source(%dma_start3A_68 : memref<10240x64xf32, #tpu.memory_space<vmem_shared>>) target(%arg10 : memref<125x64xf32, #tpu.memory_space<vmem>>) offsets(%dma_start3A_65 : memref<125xi32, #tpu.memory_space<vmem>>) semaphore(%arg12 : memref<!tpu.dma_semaphore, #tpu.memory_space<semaphore_mem>>)
        } else {
        }
        %add3A_44 = arith.constant 1 : i32
        %add3A_45 = arith.addi %mul3A_35, %add3A_44 : i32
        %dma_wait3A_46 = arith.constant 0 : i32
        %dma_wait3A_47 = tpu.memref_slice %arg8[%add3A_45, %dma_wait3A_46] : memref<80x125xi32, #tpu.memory_space<vmem>> -> memref<1x125xi32, #tpu.memory_space<vmem>>
        %dma_wait3A_48 = tpu.memref_squeeze %dma_wait3A_47 : memref<1x125xi32, #tpu.memory_space<vmem>> -> memref<125xi32, #tpu.memory_space<vmem>>
        %dma_wait3A_49 = arith.constant 0 : i32
        %dma_wait3A_50 = arith.constant 0 : i32
        %dma_wait3A_51 = tpu.memref_slice %arg6[%dma_wait3A_49, %dma_wait3A_50] : memref<10240x64xf32, #tpu.memory_space<vmem_shared>> -> memref<10240x64xf32, #tpu.memory_space<vmem_shared>>
        tpu.wait_indirect_dma semaphore(%arg13 : memref<!tpu.dma_semaphore, #tpu.memory_space<semaphore_mem>>) src(%dma_wait3A_51 : memref<10240x64xf32, #tpu.memory_space<vmem_shared>>) dst(%arg11 : memref<125x64xf32, #tpu.memory_space<vmem>>)
        %add3A_52 = arith.constant 1 : i32
        %add3A_53 = arith.addi %mul3A_35, %add3A_52 : i32
        "tpu.region"() ({
          %run_scoped3A = tpu.sem_alloc : memref<!tpu.dma_semaphore, #tpu.memory_space<semaphore_mem>>
          %dma_start3A_61 = arith.constant 0 : i32
          %dma_start3A_62 = tpu.memref_slice %arg9[%add3A_53, %dma_start3A_61] : memref<80x125xi32, #tpu.memory_space<vmem>> -> memref<1x125xi32, #tpu.memory_space<vmem>>
          %dma_start3A_63 = tpu.memref_squeeze %dma_start3A_62 : memref<1x125xi32, #tpu.memory_space<vmem>> -> memref<125xi32, #tpu.memory_space<vmem>>
          %dma_start3A_64 = arith.constant 0 : i32
          %dma_start3A_65 = arith.constant 0 : i32
          %dma_start3A_66 = tpu.memref_slice %arg7[%dma_start3A_64, %dma_start3A_65] : memref<10240x64xf32, #tpu.memory_space<vmem_shared>> -> memref<10240x64xf32, #tpu.memory_space<vmem_shared>>
          tpu.enqueue_indirect_dma source(%arg11 : memref<125x64xf32, #tpu.memory_space<vmem>>) target(%dma_start3A_66 : memref<10240x64xf32, #tpu.memory_space<vmem_shared>>) offsets(%dma_start3A_63 : memref<125xi32, #tpu.memory_space<vmem>>) semaphore(%run_scoped3A : memref<!tpu.dma_semaphore, #tpu.memory_space<semaphore_mem>>) {add = true}
          %dma_wait3A_67 = arith.constant 0 : i32
          %dma_wait3A_68 = tpu.memref_slice %arg9[%add3A_53, %dma_wait3A_67] : memref<80x125xi32, #tpu.memory_space<vmem>> -> memref<1x125xi32, #tpu.memory_space<vmem>>
          %dma_wait3A_69 = tpu.memref_squeeze %dma_wait3A_68 : memref<1x125xi32, #tpu.memory_space<vmem>> -> memref<125xi32, #tpu.memory_space<vmem>>
          %dma_wait3A_70 = arith.constant 0 : i32
          %dma_wait3A_71 = arith.constant 0 : i32
          %dma_wait3A_72 = tpu.memref_slice %arg7[%dma_wait3A_70, %dma_wait3A_71] : memref<10240x64xf32, #tpu.memory_space<vmem_shared>> -> memref<10240x64xf32, #tpu.memory_space<vmem_shared>>
          tpu.wait_indirect_dma semaphore(%run_scoped3A : memref<!tpu.dma_semaphore, #tpu.memory_space<semaphore_mem>>) src(%arg11 : memref<125x64xf32, #tpu.memory_space<vmem>>) dst(%dma_wait3A_72 : memref<10240x64xf32, #tpu.memory_space<vmem_shared>>)
          tpu.yield
        }) : () -> ()
        %add3A_54 = arith.constant 3 : i32
        %add3A_55 = arith.addi %mul3A_35, %add3A_54 : i32
        %lt3A_56 = arith.constant 80 : i32
        %lt3A_57 = arith.cmpi slt, %add3A_55, %lt3A_56 : i32
        %convert_element_type3A_58 = arith.extui %lt3A_57 : i1 to i32
        %cond3A_59 = arith.constant 0 : i32
        %cond3A_60 = arith.cmpi ne, %convert_element_type3A_58, %cond3A_59 : i32
        scf.if %cond3A_60 {
          %add3A_61 = arith.constant 3 : i32
          %add3A_62 = arith.addi %mul3A_35, %add3A_61 : i32
          %dma_start3A_63 = arith.constant 0 : i32
          %dma_start3A_64 = tpu.memref_slice %arg8[%add3A_62, %dma_start3A_63] : memref<80x125xi32, #tpu.memory_space<vmem>> -> memref<1x125xi32, #tpu.memory_space<vmem>>
          %dma_start3A_65 = tpu.memref_squeeze %dma_start3A_64 : memref<1x125xi32, #tpu.memory_space<vmem>> -> memref<125xi32, #tpu.memory_space<vmem>>
          %dma_start3A_66 = arith.constant 0 : i32
          %dma_start3A_67 = arith.constant 0 : i32
          %dma_start3A_68 = tpu.memref_slice %arg6[%dma_start3A_66, %dma_start3A_67] : memref<10240x64xf32, #tpu.memory_space<vmem_shared>> -> memref<10240x64xf32, #tpu.memory_space<vmem_shared>>
          tpu.enqueue_indirect_dma source(%dma_start3A_68 : memref<10240x64xf32, #tpu.memory_space<vmem_shared>>) target(%arg11 : memref<125x64xf32, #tpu.memory_space<vmem>>) offsets(%dma_start3A_65 : memref<125xi32, #tpu.memory_space<vmem>>) semaphore(%arg13 : memref<!tpu.dma_semaphore, #tpu.memory_space<semaphore_mem>>)
        } else {
        }
      }
      %scan3A_32 = arith.constant 40 : i32
    }
    %scan3A_7 = arith.constant 2 : i32
    %barrier3A_8 = arith.constant 0 : index
    tpu.barrier barrier_id(%barrier3A_8)
    "tpu.region"() ({
      %run_scoped3A = tpu.sem_alloc : memref<!tpu.dma_semaphore, #tpu.memory_space<semaphore_mem>>
      %dma_start3A = tpu.memref_slice %arg5[%mul3A_0, %mul3A_2] : memref<10240x128xf32, #tpu.memory_space<hbm>> -> memref<640x64xf32, #tpu.memory_space<hbm>>
      %dma_start3A_9 = arith.constant 0 : i32
      %dma_start3A_10 = tpu.memref_slice %arg7[%mul3A_0, %dma_start3A_9] : memref<10240x64xf32, #tpu.memory_space<vmem_shared>> -> memref<640x64xf32, #tpu.memory_space<vmem_shared>>
      tpu.enqueue_dma source(%dma_start3A_10 : memref<640x64xf32, #tpu.memory_space<vmem_shared>>) target(%dma_start3A : memref<640x64xf32, #tpu.memory_space<hbm>>) target_semaphore(%run_scoped3A : memref<!tpu.dma_semaphore, #tpu.memory_space<semaphore_mem>>)
      %dma_wait3A = tpu.memref_slice %arg5[%mul3A_0, %mul3A_2] : memref<10240x128xf32, #tpu.memory_space<hbm>> -> memref<640x64xf32, #tpu.memory_space<hbm>>
      %dma_wait3A_11 = arith.constant 0 : i32
      %dma_wait3A_12 = tpu.memref_slice %arg7[%mul3A_0, %dma_wait3A_11] : memref<10240x64xf32, #tpu.memory_space<vmem_shared>> -> memref<640x64xf32, #tpu.memory_space<vmem_shared>>
      tpu.wait_dma2 semaphore(%run_scoped3A : memref<!tpu.dma_semaphore, #tpu.memory_space<semaphore_mem>>) src(%dma_wait3A_12 : memref<640x64xf32, #tpu.memory_space<vmem_shared>>) dst(%dma_wait3A : memref<640x64xf32, #tpu.memory_space<hbm>>)
      tpu.yield
    }) : () -> ()
    return
  }
}

#map = affine_map<(d0, d1) -> (0, 0)>
#map1 = affine_map<(d0, d1) -> (0, 0, 0)>
module attributes {stable_mosaic.version = 14 : i64} {
  func.func @_segsum_body(%arg0: i32, %arg1: i32, %arg2: memref<10240x128xf32, #tpu.memory_space<hbm>>, %arg3: memref<16x160x125xi32, #tpu.memory_space<hbm>>, %arg4: memref<16x160x125xi32, #tpu.memory_space<hbm>>, %arg5: memref<10240x128xf32, #tpu.memory_space<hbm>>, %arg6: memref<10240x64xf32, #tpu.memory_space<vmem_shared>>, %arg7: memref<10240x64xf32, #tpu.memory_space<vmem_shared>>, %arg8: memref<80x125xi32, #tpu.memory_space<vmem>>, %arg9: memref<80x125xi32, #tpu.memory_space<vmem>>, %arg10: memref<125x64xf32, #tpu.memory_space<vmem>>, %arg11: memref<125x64xf32, #tpu.memory_space<vmem>>, %arg12: memref<!tpu.dma_semaphore, #tpu.memory_space<semaphore_mem>>, %arg13: memref<!tpu.dma_semaphore, #tpu.memory_space<semaphore_mem>>) attributes {dimension_semantics = [#tpu.dimension_semantics<core_parallel>, #tpu.dimension_semantics<subcore_parallel>], iteration_bounds = array<i64: 2, 16>, scalar_prefetch = 0 : i64, scratch_operands = 8 : i64, tpu.core_type = #tpu.core_type<sc_vector_subcore>, window_params = [{transform_indices = #map}, {transform_indices = #map1}, {transform_indices = #map1}, {transform_indices = #map}]} {
    %mul3A = arith.constant 640 : i32
    %mul3A_0 = arith.muli %arg1, %mul3A : i32
    %mul3A_1 = arith.constant 64 : i32
    %mul3A_2 = arith.muli %arg0, %mul3A_1 : i32
    "tpu.region"() ({
      %run_scoped3A = tpu.sem_alloc : memref<!tpu.dma_semaphore, #tpu.memory_space<semaphore_mem>>
      %dma_start3A = arith.constant 0 : i32
      %dma_start3A_9 = tpu.memref_slice %arg6[%mul3A_0, %dma_start3A] : memref<10240x64xf32, #tpu.memory_space<vmem_shared>> -> memref<640x64xf32, #tpu.memory_space<vmem_shared>>
      %dma_start3A_10 = tpu.memref_slice %arg2[%mul3A_0, %mul3A_2] : memref<10240x128xf32, #tpu.memory_space<hbm>> -> memref<640x64xf32, #tpu.memory_space<hbm>>
      tpu.enqueue_dma source(%dma_start3A_10 : memref<640x64xf32, #tpu.memory_space<hbm>>) target(%dma_start3A_9 : memref<640x64xf32, #tpu.memory_space<vmem_shared>>) target_semaphore(%run_scoped3A : memref<!tpu.dma_semaphore, #tpu.memory_space<semaphore_mem>>)
      %dma_wait3A = arith.constant 0 : i32
      %dma_wait3A_11 = tpu.memref_slice %arg6[%mul3A_0, %dma_wait3A] : memref<10240x64xf32, #tpu.memory_space<vmem_shared>> -> memref<640x64xf32, #tpu.memory_space<vmem_shared>>
      %dma_wait3A_12 = tpu.memref_slice %arg2[%mul3A_0, %mul3A_2] : memref<10240x128xf32, #tpu.memory_space<hbm>> -> memref<640x64xf32, #tpu.memory_space<hbm>>
      tpu.wait_dma2 semaphore(%run_scoped3A : memref<!tpu.dma_semaphore, #tpu.memory_space<semaphore_mem>>) src(%dma_wait3A_12 : memref<640x64xf32, #tpu.memory_space<hbm>>) dst(%dma_wait3A_11 : memref<640x64xf32, #tpu.memory_space<vmem_shared>>)
      tpu.yield
    }) : () -> ()
    "tpu.region"() ({
      %run_scoped3A = tpu.sem_alloc : memref<!tpu.dma_semaphore, #tpu.memory_space<semaphore_mem>>
      %dma_start3A = arith.constant 0 : i32
      %dma_start3A_9 = tpu.memref_slice %arg7[%mul3A_0, %dma_start3A] : memref<10240x64xf32, #tpu.memory_space<vmem_shared>> -> memref<640x64xf32, #tpu.memory_space<vmem_shared>>
      %dma_start3A_10 = tpu.memref_slice %arg2[%mul3A_0, %mul3A_2] : memref<10240x128xf32, #tpu.memory_space<hbm>> -> memref<640x64xf32, #tpu.memory_space<hbm>>
      tpu.enqueue_dma source(%dma_start3A_10 : memref<640x64xf32, #tpu.memory_space<hbm>>) target(%dma_start3A_9 : memref<640x64xf32, #tpu.memory_space<vmem_shared>>) target_semaphore(%run_scoped3A : memref<!tpu.dma_semaphore, #tpu.memory_space<semaphore_mem>>)
      %dma_wait3A = arith.constant 0 : i32
      %dma_wait3A_11 = tpu.memref_slice %arg7[%mul3A_0, %dma_wait3A] : memref<10240x64xf32, #tpu.memory_space<vmem_shared>> -> memref<640x64xf32, #tpu.memory_space<vmem_shared>>
      %dma_wait3A_12 = tpu.memref_slice %arg2[%mul3A_0, %mul3A_2] : memref<10240x128xf32, #tpu.memory_space<hbm>> -> memref<640x64xf32, #tpu.memory_space<hbm>>
      tpu.wait_dma2 semaphore(%run_scoped3A : memref<!tpu.dma_semaphore, #tpu.memory_space<semaphore_mem>>) src(%dma_wait3A_12 : memref<640x64xf32, #tpu.memory_space<hbm>>) dst(%dma_wait3A_11 : memref<640x64xf32, #tpu.memory_space<vmem_shared>>)
      tpu.yield
    }) : () -> ()
    %barrier3A = arith.constant 0 : index
    tpu.barrier barrier_id(%barrier3A)
    %scan3A = arith.constant 0 : i32
    %scan3A_3 = arith.constant 0 : i32
    %scan3A_4 = arith.constant 2 : i32
    %scan3A_5 = arith.addi %scan3A_3, %scan3A_4 : i32
    %scan3A_6 = arith.constant 1 : i32
    scf.for %scan3A_9 = %scan3A_3 to %scan3A_5 step %scan3A_6  : i32 {
      %mul3A_10 = arith.constant 80 : i32
      %mul3A_11 = arith.muli %scan3A_9, %mul3A_10 : i32
      "tpu.region"() ({
        %run_scoped3A = tpu.sem_alloc : memref<!tpu.dma_semaphore, #tpu.memory_space<semaphore_mem>>
        %dma_start3A_33 = arith.constant 0 : i32
        %dma_start3A_34 = tpu.memref_slice %arg3[%arg1, %mul3A_11, %dma_start3A_33] : memref<16x160x125xi32, #tpu.memory_space<hbm>> -> memref<1x80x125xi32, #tpu.memory_space<hbm>>
        %dma_start3A_35 = tpu.memref_squeeze %dma_start3A_34 : memref<1x80x125xi32, #tpu.memory_space<hbm>> -> memref<80x125xi32, #tpu.memory_space<hbm>>
        %dma_start3A_36 = arith.constant 0 : i32
        %dma_start3A_37 = tpu.memref_slice %arg3[%arg1, %mul3A_11, %dma_start3A_36] : memref<16x160x125xi32, #tpu.memory_space<hbm>> -> memref<1x80x125xi32, #tpu.memory_space<hbm>>
        %dma_start3A_38 = tpu.memref_squeeze %dma_start3A_37 : memref<1x80x125xi32, #tpu.memory_space<hbm>> -> memref<80x125xi32, #tpu.memory_space<hbm>>
        tpu.enqueue_dma source(%dma_start3A_38 : memref<80x125xi32, #tpu.memory_space<hbm>>) target(%arg8 : memref<80x125xi32, #tpu.memory_space<vmem>>) target_semaphore(%run_scoped3A : memref<!tpu.dma_semaphore, #tpu.memory_space<semaphore_mem>>)
        %dma_wait3A = arith.constant 0 : i32
        %dma_wait3A_39 = tpu.memref_slice %arg3[%arg1, %mul3A_11, %dma_wait3A] : memref<16x160x125xi32, #tpu.memory_space<hbm>> -> memref<1x80x125xi32, #tpu.memory_space<hbm>>
        %dma_wait3A_40 = tpu.memref_squeeze %dma_wait3A_39 : memref<1x80x125xi32, #tpu.memory_space<hbm>> -> memref<80x125xi32, #tpu.memory_space<hbm>>
        %dma_wait3A_41 = arith.constant 0 : i32
        %dma_wait3A_42 = tpu.memref_slice %arg3[%arg1, %mul3A_11, %dma_wait3A_41] : memref<16x160x125xi32, #tpu.memory_space<hbm>> -> memref<1x80x125xi32, #tpu.memory_space<hbm>>
        %dma_wait3A_43 = tpu.memref_squeeze %dma_wait3A_42 : memref<1x80x125xi32, #tpu.memory_space<hbm>> -> memref<80x125xi32, #tpu.memory_space<hbm>>
        tpu.wait_dma2 semaphore(%run_scoped3A : memref<!tpu.dma_semaphore, #tpu.memory_space<semaphore_mem>>) src(%dma_wait3A_43 : memref<80x125xi32, #tpu.memory_space<hbm>>) dst(%arg8 : memref<80x125xi32, #tpu.memory_space<vmem>>)
        tpu.yield
      }) : () -> ()
      %mul3A_12 = arith.constant 80 : i32
      %mul3A_13 = arith.muli %scan3A_9, %mul3A_12 : i32
      "tpu.region"() ({
        %run_scoped3A = tpu.sem_alloc : memref<!tpu.dma_semaphore, #tpu.memory_space<semaphore_mem>>
        %dma_start3A_33 = arith.constant 0 : i32
        %dma_start3A_34 = tpu.memref_slice %arg4[%arg1, %mul3A_13, %dma_start3A_33] : memref<16x160x125xi32, #tpu.memory_space<hbm>> -> memref<1x80x125xi32, #tpu.memory_space<hbm>>
        %dma_start3A_35 = tpu.memref_squeeze %dma_start3A_34 : memref<1x80x125xi32, #tpu.memory_space<hbm>> -> memref<80x125xi32, #tpu.memory_space<hbm>>
        %dma_start3A_36 = arith.constant 0 : i32
        %dma_start3A_37 = tpu.memref_slice %arg4[%arg1, %mul3A_13, %dma_start3A_36] : memref<16x160x125xi32, #tpu.memory_space<hbm>> -> memref<1x80x125xi32, #tpu.memory_space<hbm>>
        %dma_start3A_38 = tpu.memref_squeeze %dma_start3A_37 : memref<1x80x125xi32, #tpu.memory_space<hbm>> -> memref<80x125xi32, #tpu.memory_space<hbm>>
        tpu.enqueue_dma source(%dma_start3A_38 : memref<80x125xi32, #tpu.memory_space<hbm>>) target(%arg9 : memref<80x125xi32, #tpu.memory_space<vmem>>) target_semaphore(%run_scoped3A : memref<!tpu.dma_semaphore, #tpu.memory_space<semaphore_mem>>)
        %dma_wait3A = arith.constant 0 : i32
        %dma_wait3A_39 = tpu.memref_slice %arg4[%arg1, %mul3A_13, %dma_wait3A] : memref<16x160x125xi32, #tpu.memory_space<hbm>> -> memref<1x80x125xi32, #tpu.memory_space<hbm>>
        %dma_wait3A_40 = tpu.memref_squeeze %dma_wait3A_39 : memref<1x80x125xi32, #tpu.memory_space<hbm>> -> memref<80x125xi32, #tpu.memory_space<hbm>>
        %dma_wait3A_41 = arith.constant 0 : i32
        %dma_wait3A_42 = tpu.memref_slice %arg4[%arg1, %mul3A_13, %dma_wait3A_41] : memref<16x160x125xi32, #tpu.memory_space<hbm>> -> memref<1x80x125xi32, #tpu.memory_space<hbm>>
        %dma_wait3A_43 = tpu.memref_squeeze %dma_wait3A_42 : memref<1x80x125xi32, #tpu.memory_space<hbm>> -> memref<80x125xi32, #tpu.memory_space<hbm>>
        tpu.wait_dma2 semaphore(%run_scoped3A : memref<!tpu.dma_semaphore, #tpu.memory_space<semaphore_mem>>) src(%dma_wait3A_43 : memref<80x125xi32, #tpu.memory_space<hbm>>) dst(%arg9 : memref<80x125xi32, #tpu.memory_space<vmem>>)
        tpu.yield
      }) : () -> ()
      %dma_start3A = arith.constant 0 : i32
      %dma_start3A_14 = arith.constant 0 : i32
      %dma_start3A_15 = tpu.memref_slice %arg8[%dma_start3A, %dma_start3A_14] : memref<80x125xi32, #tpu.memory_space<vmem>> -> memref<1x125xi32, #tpu.memory_space<vmem>>
      %dma_start3A_16 = tpu.memref_squeeze %dma_start3A_15 : memref<1x125xi32, #tpu.memory_space<vmem>> -> memref<125xi32, #tpu.memory_space<vmem>>
      %dma_start3A_17 = arith.constant 0 : i32
      %dma_start3A_18 = arith.constant 0 : i32
      %dma_start3A_19 = tpu.memref_slice %arg6[%dma_start3A_17, %dma_start3A_18] : memref<10240x64xf32, #tpu.memory_space<vmem_shared>> -> memref<10240x64xf32, #tpu.memory_space<vmem_shared>>
      tpu.enqueue_indirect_dma source(%dma_start3A_19 : memref<10240x64xf32, #tpu.memory_space<vmem_shared>>) target(%arg10 : memref<125x64xf32, #tpu.memory_space<vmem>>) offsets(%dma_start3A_16 : memref<125xi32, #tpu.memory_space<vmem>>) semaphore(%arg12 : memref<!tpu.dma_semaphore, #tpu.memory_space<semaphore_mem>>)
      %dma_start3A_20 = arith.constant 1 : i32
      %dma_start3A_21 = arith.constant 0 : i32
      %dma_start3A_22 = tpu.memref_slice %arg8[%dma_start3A_20, %dma_start3A_21] : memref<80x125xi32, #tpu.memory_space<vmem>> -> memref<1x125xi32, #tpu.memory_space<vmem>>
      %dma_start3A_23 = tpu.memref_squeeze %dma_start3A_22 : memref<1x125xi32, #tpu.memory_space<vmem>> -> memref<125xi32, #tpu.memory_space<vmem>>
      %dma_start3A_24 = arith.constant 0 : i32
      %dma_start3A_25 = arith.constant 0 : i32
      %dma_start3A_26 = tpu.memref_slice %arg6[%dma_start3A_24, %dma_start3A_25] : memref<10240x64xf32, #tpu.memory_space<vmem_shared>> -> memref<10240x64xf32, #tpu.memory_space<vmem_shared>>
      tpu.enqueue_indirect_dma source(%dma_start3A_26 : memref<10240x64xf32, #tpu.memory_space<vmem_shared>>) target(%arg11 : memref<125x64xf32, #tpu.memory_space<vmem>>) offsets(%dma_start3A_23 : memref<125xi32, #tpu.memory_space<vmem>>) semaphore(%arg13 : memref<!tpu.dma_semaphore, #tpu.memory_space<semaphore_mem>>)
      %scan3A_27 = arith.constant 0 : i32
      %scan3A_28 = arith.constant 0 : i32
      %scan3A_29 = arith.constant 40 : i32
      %scan3A_30 = arith.addi %scan3A_28, %scan3A_29 : i32
      %scan3A_31 = arith.constant 1 : i32
      scf.for %scan3A_33 = %scan3A_28 to %scan3A_30 step %scan3A_31  : i32 {
        %mul3A_34 = arith.constant 2 : i32
        %mul3A_35 = arith.muli %mul3A_34, %scan3A_33 : i32
        %dma_wait3A = arith.constant 0 : i32
        %dma_wait3A_36 = tpu.memref_slice %arg8[%mul3A_35, %dma_wait3A] : memref<80x125xi32, #tpu.memory_space<vmem>> -> memref<1x125xi32, #tpu.memory_space<vmem>>
        %dma_wait3A_37 = tpu.memref_squeeze %dma_wait3A_36 : memref<1x125xi32, #tpu.memory_space<vmem>> -> memref<125xi32, #tpu.memory_space<vmem>>
        %dma_wait3A_38 = arith.constant 0 : i32
        %dma_wait3A_39 = arith.constant 0 : i32
        %dma_wait3A_40 = tpu.memref_slice %arg6[%dma_wait3A_38, %dma_wait3A_39] : memref<10240x64xf32, #tpu.memory_space<vmem_shared>> -> memref<10240x64xf32, #tpu.memory_space<vmem_shared>>
        tpu.wait_indirect_dma semaphore(%arg12 : memref<!tpu.dma_semaphore, #tpu.memory_space<semaphore_mem>>) src(%dma_wait3A_40 : memref<10240x64xf32, #tpu.memory_space<vmem_shared>>) dst(%arg10 : memref<125x64xf32, #tpu.memory_space<vmem>>)
        "tpu.region"() ({
          %run_scoped3A = tpu.sem_alloc : memref<!tpu.dma_semaphore, #tpu.memory_space<semaphore_mem>>
          %dma_start3A_61 = arith.constant 0 : i32
          %dma_start3A_62 = tpu.memref_slice %arg9[%mul3A_35, %dma_start3A_61] : memref<80x125xi32, #tpu.memory_space<vmem>> -> memref<1x125xi32, #tpu.memory_space<vmem>>
          %dma_start3A_63 = tpu.memref_squeeze %dma_start3A_62 : memref<1x125xi32, #tpu.memory_space<vmem>> -> memref<125xi32, #tpu.memory_space<vmem>>
          %dma_start3A_64 = arith.constant 0 : i32
          %dma_start3A_65 = arith.constant 0 : i32
          %dma_start3A_66 = tpu.memref_slice %arg7[%dma_start3A_64, %dma_start3A_65] : memref<10240x64xf32, #tpu.memory_space<vmem_shared>> -> memref<10240x64xf32, #tpu.memory_space<vmem_shared>>
          tpu.enqueue_indirect_dma source(%arg10 : memref<125x64xf32, #tpu.memory_space<vmem>>) target(%dma_start3A_66 : memref<10240x64xf32, #tpu.memory_space<vmem_shared>>) offsets(%dma_start3A_63 : memref<125xi32, #tpu.memory_space<vmem>>) semaphore(%run_scoped3A : memref<!tpu.dma_semaphore, #tpu.memory_space<semaphore_mem>>) {add = true}
          %dma_wait3A_67 = arith.constant 0 : i32
          %dma_wait3A_68 = tpu.memref_slice %arg9[%mul3A_35, %dma_wait3A_67] : memref<80x125xi32, #tpu.memory_space<vmem>> -> memref<1x125xi32, #tpu.memory_space<vmem>>
          %dma_wait3A_69 = tpu.memref_squeeze %dma_wait3A_68 : memref<1x125xi32, #tpu.memory_space<vmem>> -> memref<125xi32, #tpu.memory_space<vmem>>
          %dma_wait3A_70 = arith.constant 0 : i32
          %dma_wait3A_71 = arith.constant 0 : i32
          %dma_wait3A_72 = tpu.memref_slice %arg7[%dma_wait3A_70, %dma_wait3A_71] : memref<10240x64xf32, #tpu.memory_space<vmem_shared>> -> memref<10240x64xf32, #tpu.memory_space<vmem_shared>>
          tpu.wait_indirect_dma semaphore(%run_scoped3A : memref<!tpu.dma_semaphore, #tpu.memory_space<semaphore_mem>>) src(%arg10 : memref<125x64xf32, #tpu.memory_space<vmem>>) dst(%dma_wait3A_72 : memref<10240x64xf32, #tpu.memory_space<vmem_shared>>)
          tpu.yield
        }) : () -> ()
        %add3A = arith.constant 2 : i32
        %add3A_41 = arith.addi %mul3A_35, %add3A : i32
        %lt3A = arith.constant 80 : i32
        %lt3A_42 = arith.cmpi slt, %add3A_41, %lt3A : i32
        %convert_element_type3A = arith.extui %lt3A_42 : i1 to i32
        %cond3A = arith.constant 0 : i32
        %cond3A_43 = arith.cmpi ne, %convert_element_type3A, %cond3A : i32
        scf.if %cond3A_43 {
          %add3A_61 = arith.constant 2 : i32
          %add3A_62 = arith.addi %mul3A_35, %add3A_61 : i32
          %dma_start3A_63 = arith.constant 0 : i32
          %dma_start3A_64 = tpu.memref_slice %arg8[%add3A_62, %dma_start3A_63] : memref<80x125xi32, #tpu.memory_space<vmem>> -> memref<1x125xi32, #tpu.memory_space<vmem>>
          %dma_start3A_65 = tpu.memref_squeeze %dma_start3A_64 : memref<1x125xi32, #tpu.memory_space<vmem>> -> memref<125xi32, #tpu.memory_space<vmem>>
          %dma_start3A_66 = arith.constant 0 : i32
          %dma_start3A_67 = arith.constant 0 : i32
          %dma_start3A_68 = tpu.memref_slice %arg6[%dma_start3A_66, %dma_start3A_67] : memref<10240x64xf32, #tpu.memory_space<vmem_shared>> -> memref<10240x64xf32, #tpu.memory_space<vmem_shared>>
          tpu.enqueue_indirect_dma source(%dma_start3A_68 : memref<10240x64xf32, #tpu.memory_space<vmem_shared>>) target(%arg10 : memref<125x64xf32, #tpu.memory_space<vmem>>) offsets(%dma_start3A_65 : memref<125xi32, #tpu.memory_space<vmem>>) semaphore(%arg12 : memref<!tpu.dma_semaphore, #tpu.memory_space<semaphore_mem>>)
        } else {
        }
        %add3A_44 = arith.constant 1 : i32
        %add3A_45 = arith.addi %mul3A_35, %add3A_44 : i32
        %dma_wait3A_46 = arith.constant 0 : i32
        %dma_wait3A_47 = tpu.memref_slice %arg8[%add3A_45, %dma_wait3A_46] : memref<80x125xi32, #tpu.memory_space<vmem>> -> memref<1x125xi32, #tpu.memory_space<vmem>>
        %dma_wait3A_48 = tpu.memref_squeeze %dma_wait3A_47 : memref<1x125xi32, #tpu.memory_space<vmem>> -> memref<125xi32, #tpu.memory_space<vmem>>
        %dma_wait3A_49 = arith.constant 0 : i32
        %dma_wait3A_50 = arith.constant 0 : i32
        %dma_wait3A_51 = tpu.memref_slice %arg6[%dma_wait3A_49, %dma_wait3A_50] : memref<10240x64xf32, #tpu.memory_space<vmem_shared>> -> memref<10240x64xf32, #tpu.memory_space<vmem_shared>>
        tpu.wait_indirect_dma semaphore(%arg13 : memref<!tpu.dma_semaphore, #tpu.memory_space<semaphore_mem>>) src(%dma_wait3A_51 : memref<10240x64xf32, #tpu.memory_space<vmem_shared>>) dst(%arg11 : memref<125x64xf32, #tpu.memory_space<vmem>>)
        %add3A_52 = arith.constant 1 : i32
        %add3A_53 = arith.addi %mul3A_35, %add3A_52 : i32
        "tpu.region"() ({
          %run_scoped3A = tpu.sem_alloc : memref<!tpu.dma_semaphore, #tpu.memory_space<semaphore_mem>>
          %dma_start3A_61 = arith.constant 0 : i32
          %dma_start3A_62 = tpu.memref_slice %arg9[%add3A_53, %dma_start3A_61] : memref<80x125xi32, #tpu.memory_space<vmem>> -> memref<1x125xi32, #tpu.memory_space<vmem>>
          %dma_start3A_63 = tpu.memref_squeeze %dma_start3A_62 : memref<1x125xi32, #tpu.memory_space<vmem>> -> memref<125xi32, #tpu.memory_space<vmem>>
          %dma_start3A_64 = arith.constant 0 : i32
          %dma_start3A_65 = arith.constant 0 : i32
          %dma_start3A_66 = tpu.memref_slice %arg7[%dma_start3A_64, %dma_start3A_65] : memref<10240x64xf32, #tpu.memory_space<vmem_shared>> -> memref<10240x64xf32, #tpu.memory_space<vmem_shared>>
          tpu.enqueue_indirect_dma source(%arg11 : memref<125x64xf32, #tpu.memory_space<vmem>>) target(%dma_start3A_66 : memref<10240x64xf32, #tpu.memory_space<vmem_shared>>) offsets(%dma_start3A_63 : memref<125xi32, #tpu.memory_space<vmem>>) semaphore(%run_scoped3A : memref<!tpu.dma_semaphore, #tpu.memory_space<semaphore_mem>>) {add = true}
          %dma_wait3A_67 = arith.constant 0 : i32
          %dma_wait3A_68 = tpu.memref_slice %arg9[%add3A_53, %dma_wait3A_67] : memref<80x125xi32, #tpu.memory_space<vmem>> -> memref<1x125xi32, #tpu.memory_space<vmem>>
          %dma_wait3A_69 = tpu.memref_squeeze %dma_wait3A_68 : memref<1x125xi32, #tpu.memory_space<vmem>> -> memref<125xi32, #tpu.memory_space<vmem>>
          %dma_wait3A_70 = arith.constant 0 : i32
          %dma_wait3A_71 = arith.constant 0 : i32
          %dma_wait3A_72 = tpu.memref_slice %arg7[%dma_wait3A_70, %dma_wait3A_71] : memref<10240x64xf32, #tpu.memory_space<vmem_shared>> -> memref<10240x64xf32, #tpu.memory_space<vmem_shared>>
          tpu.wait_indirect_dma semaphore(%run_scoped3A : memref<!tpu.dma_semaphore, #tpu.memory_space<semaphore_mem>>) src(%arg11 : memref<125x64xf32, #tpu.memory_space<vmem>>) dst(%dma_wait3A_72 : memref<10240x64xf32, #tpu.memory_space<vmem_shared>>)
          tpu.yield
        }) : () -> ()
        %add3A_54 = arith.constant 3 : i32
        %add3A_55 = arith.addi %mul3A_35, %add3A_54 : i32
        %lt3A_56 = arith.constant 80 : i32
        %lt3A_57 = arith.cmpi slt, %add3A_55, %lt3A_56 : i32
        %convert_element_type3A_58 = arith.extui %lt3A_57 : i1 to i32
        %cond3A_59 = arith.constant 0 : i32
        %cond3A_60 = arith.cmpi ne, %convert_element_type3A_58, %cond3A_59 : i32
        scf.if %cond3A_60 {
          %add3A_61 = arith.constant 3 : i32
          %add3A_62 = arith.addi %mul3A_35, %add3A_61 : i32
          %dma_start3A_63 = arith.constant 0 : i32
          %dma_start3A_64 = tpu.memref_slice %arg8[%add3A_62, %dma_start3A_63] : memref<80x125xi32, #tpu.memory_space<vmem>> -> memref<1x125xi32, #tpu.memory_space<vmem>>
          %dma_start3A_65 = tpu.memref_squeeze %dma_start3A_64 : memref<1x125xi32, #tpu.memory_space<vmem>> -> memref<125xi32, #tpu.memory_space<vmem>>
          %dma_start3A_66 = arith.constant 0 : i32
          %dma_start3A_67 = arith.constant 0 : i32
          %dma_start3A_68 = tpu.memref_slice %arg6[%dma_start3A_66, %dma_start3A_67] : memref<10240x64xf32, #tpu.memory_space<vmem_shared>> -> memref<10240x64xf32, #tpu.memory_space<vmem_shared>>
          tpu.enqueue_indirect_dma source(%dma_start3A_68 : memref<10240x64xf32, #tpu.memory_space<vmem_shared>>) target(%arg11 : memref<125x64xf32, #tpu.memory_space<vmem>>) offsets(%dma_start3A_65 : memref<125xi32, #tpu.memory_space<vmem>>) semaphore(%arg13 : memref<!tpu.dma_semaphore, #tpu.memory_space<semaphore_mem>>)
        } else {
        }
      }
      %scan3A_32 = arith.constant 40 : i32
    }
    %scan3A_7 = arith.constant 2 : i32
    %barrier3A_8 = arith.constant 0 : index
    tpu.barrier barrier_id(%barrier3A_8)
    "tpu.region"() ({
      %run_scoped3A = tpu.sem_alloc : memref<!tpu.dma_semaphore, #tpu.memory_space<semaphore_mem>>
      %dma_start3A = tpu.memref_slice %arg5[%mul3A_0, %mul3A_2] : memref<10240x128xf32, #tpu.memory_space<hbm>> -> memref<640x64xf32, #tpu.memory_space<hbm>>
      %dma_start3A_9 = arith.constant 0 : i32
      %dma_start3A_10 = tpu.memref_slice %arg7[%mul3A_0, %dma_start3A_9] : memref<10240x64xf32, #tpu.memory_space<vmem_shared>> -> memref<640x64xf32, #tpu.memory_space<vmem_shared>>
      tpu.enqueue_dma source(%dma_start3A_10 : memref<640x64xf32, #tpu.memory_space<vmem_shared>>) target(%dma_start3A : memref<640x64xf32, #tpu.memory_space<hbm>>) target_semaphore(%run_scoped3A : memref<!tpu.dma_semaphore, #tpu.memory_space<semaphore_mem>>)
      %dma_wait3A = tpu.memref_slice %arg5[%mul3A_0, %mul3A_2] : memref<10240x128xf32, #tpu.memory_space<hbm>> -> memref<640x64xf32, #tpu.memory_space<hbm>>
      %dma_wait3A_11 = arith.constant 0 : i32
      %dma_wait3A_12 = tpu.memref_slice %arg7[%mul3A_0, %dma_wait3A_11] : memref<10240x64xf32, #tpu.memory_space<vmem_shared>> -> memref<640x64xf32, #tpu.memory_space<vmem_shared>>
      tpu.wait_dma2 semaphore(%run_scoped3A : memref<!tpu.dma_semaphore, #tpu.memory_space<semaphore_mem>>) src(%dma_wait3A_12 : memref<640x64xf32, #tpu.memory_space<vmem_shared>>) dst(%dma_wait3A : memref<640x64xf32, #tpu.memory_space<hbm>>)
      tpu.yield
    }) : () -> ()
    return
  }
}

module attributes {stable_mosaic.version = 14 : i64} {
  func.func @_tc1_body(%arg0: i32, %arg1: memref<1024x128xf32, #tpu.memory_space<vmem>>, %arg2: memref<128x128xf32, #tpu.memory_space<vmem>>, %arg3: memref<1x128xf32, #tpu.memory_space<vmem>>, %arg4: memref<32x1024xf32, #tpu.memory_space<vmem>>, %arg5: memref<1024x128xf32, #tpu.memory_space<vmem>>, %arg6: memref<1024x1xf32, #tpu.memory_space<vmem>>) attributes {dimension_semantics = [#tpu.dimension_semantics<arbitrary>], iteration_bounds = array<i64: 10>, scalar_prefetch = 0 : i64, scratch_operands = 0 : i64, tpu.core_type = #tpu.core_type<tc>, window_params = [{transform_indices = @transform_0, window_bounds = array<i64: 1024, 128>}, {pipeline_mode = #tpu.pipeline_mode<synchronous>, transform_indices = @transform_1, window_bounds = array<i64: 128, 128>}, {pipeline_mode = #tpu.pipeline_mode<synchronous>, transform_indices = @transform_2, window_bounds = array<i64: 1, 128>}, {transform_indices = @transform_3, window_bounds = array<i64: 32, 1024>}, {transform_indices = @transform_4, window_bounds = array<i64: 1024, 128>}, {transform_indices = @transform_5, window_bounds = array<i64: 1024, 1>}]} {
    %get3A = arith.constant 0 : index
    %get3A_0 = arith.constant 0 : index
    %get3A_1 = vector.load %arg1[%get3A, %get3A_0] : memref<1024x128xf32, #tpu.memory_space<vmem>>, vector<1024x128xf32>
    %get3A_2 = arith.constant 0 : index
    %get3A_3 = arith.constant 0 : index
    %get3A_4 = vector.load %arg2[%get3A_2, %get3A_3] : memref<128x128xf32, #tpu.memory_space<vmem>>, vector<128x128xf32>
    %dot_general3A = arith.constant dense<0.000000e+00> : vector<1024x128xf32>
    %dot_general3A_5 = tpu.matmul %get3A_1, %get3A_4, %dot_general3A {dimension_numbers = #tpu.dot_dimension_numbers<[1], [0], [0], [1], [0, 0, 1, 1], [], []>, transpose_lhs_hint = false} : vector<1024x128xf32>, vector<128x128xf32>, vector<1024x128xf32> -> vector<1024x128xf32>
    %get3A_6 = arith.constant 0 : index
    %get3A_7 = arith.constant 0 : index
    %get3A_8 = vector.load %arg3[%get3A_6, %get3A_7] : memref<1x128xf32, #tpu.memory_space<vmem>>, vector<1x128xf32>
    %add3A = vector.broadcast %get3A_8 : vector<1x128xf32> to vector<1024x128xf32>
    %add3A_9 = arith.addf %dot_general3A_5, %add3A : vector<1024x128xf32>
    %broadcast_in_dim3A = arith.constant 1.000000e+00 : f32
    %broadcast_in_dim3A_10 = vector.broadcast %broadcast_in_dim3A : f32 to vector<32x1xf32>
    %get3A_11 = arith.constant 0 : index
    %get3A_12 = arith.constant 0 : index
    %get3A_13 = vector.load %arg4[%get3A_11, %get3A_12] : memref<32x1024xf32, #tpu.memory_space<vmem>>, vector<32x1024xf32>
    %dot_general3A_14 = arith.constant dense<0.000000e+00> : vector<1024x1xf32>
    %dot_general3A_15 = tpu.matmul %get3A_13, %broadcast_in_dim3A_10, %dot_general3A_14 {dimension_numbers = #tpu.dot_dimension_numbers<[0], [0], [1], [1], [0, 1, 1, 1], [], []>, transpose_lhs_hint = false} : vector<32x1024xf32>, vector<32x1xf32>, vector<1024x1xf32> -> vector<1024x1xf32>
    %mul3A = arith.constant 1024 : i32
    %mul3A_16 = arith.muli %arg0, %mul3A : i32
    %iota3A = tpu.iota {dimensions = array<i32: 0>} : vector<1024x1xi32>
    %add3A_17 = vector.broadcast %mul3A_16 : i32 to vector<1024x1xi32>
    %add3A_18 = arith.addi %add3A_17, %iota3A : vector<1024x1xi32>
    %lt3A = arith.constant 10000 : i32
    %lt3A_19 = vector.broadcast %lt3A : i32 to vector<1024x1xi32>
    %lt3A_20 = arith.cmpi slt, %add3A_18, %lt3A_19 : vector<1024x1xi32>
    %jit3A = arith.constant 1.000000e+00 : f32
    %jit3A_21 = arith.constant 0.000000e+00 : f32
    %broadcast_in_dim3A_22 = vector.broadcast %jit3A : f32 to vector<1024x1xf32>
    %broadcast_in_dim3A_23 = vector.broadcast %jit3A_21 : f32 to vector<1024x1xf32>
    %select_n3A = arith.select %lt3A_20, %broadcast_in_dim3A_22, %broadcast_in_dim3A_23 : vector<1024x1xi1>, vector<1024x1xf32>
    %add3A_24 = arith.addf %dot_general3A_15, %select_n3A : vector<1024x1xf32>
    %gt3A = arith.constant 0.000000e+00 : f32
    %gt3A_25 = vector.broadcast %gt3A : f32 to vector<1024x1xf32>
    %gt3A_26 = arith.cmpf ogt, %add3A_24, %gt3A_25 : vector<1024x1xf32>
    %rsqrt3A = math.rsqrt %add3A_24 : vector<1024x1xf32>
    %jit3A_27 = arith.constant 0.000000e+00 : f32
    %broadcast_in_dim3A_28 = vector.broadcast %jit3A_27 : f32 to vector<1024x1xf32>
    %select_n3A_29 = arith.select %gt3A_26, %rsqrt3A, %broadcast_in_dim3A_28 : vector<1024x1xi1>, vector<1024x1xf32>
    %mul3A_30 = vector.broadcast %select_n3A_29 : vector<1024x1xf32> to vector<1024x128xf32>
    %mul3A_31 = arith.mulf %add3A_9, %mul3A_30 : vector<1024x128xf32>
    %swap3A = arith.constant 0 : index
    %swap3A_32 = arith.constant 0 : index
    %swap3A_33 = vector.load %arg5[%swap3A, %swap3A_32] : memref<1024x128xf32, #tpu.memory_space<vmem>>, vector<1024x128xf32>
    tpu.vector_store %arg5[%swap3A, %swap3A_32], %mul3A_31 {strides = array<i32>} : memref<1024x128xf32, #tpu.memory_space<vmem>>, vector<1024x128xf32>,
    %swap3A_34 = arith.constant 0 : index
    %swap3A_35 = arith.constant 0 : index
    %swap3A_36 = vector.load %arg6[%swap3A_34, %swap3A_35] : memref<1024x1xf32, #tpu.memory_space<vmem>>, vector<1024x1xf32>
    tpu.vector_store %arg6[%swap3A_34, %swap3A_35], %select_n3A_29 {strides = array<i32>} : memref<1024x1xf32, #tpu.memory_space<vmem>>, vector<1024x1xf32>,
    return
  }
  func.func @transform_0(%arg0: i32) -> (i32, i32) {
    %c0_i32 = arith.constant 0 : i32
    %c0_i32_0 = arith.constant 0 : i32
    return %arg0, %c0_i32 : i32, i32
  }
  func.func @transform_1(%arg0: i32) -> (i32, i32) {
    %c0_i32 = arith.constant 0 : i32
    %c0_i32_0 = arith.constant 0 : i32
    %c0_i32_1 = arith.constant 0 : i32
    return %c0_i32, %c0_i32_0 : i32, i32
  }
  func.func @transform_2(%arg0: i32) -> (i32, i32) {
    %c0_i32 = arith.constant 0 : i32
    %c0_i32_0 = arith.constant 0 : i32
    %c0_i32_1 = arith.constant 0 : i32
    return %c0_i32, %c0_i32_0 : i32, i32
  }
  func.func @transform_3(%arg0: i32) -> (i32, i32) {
    %c0_i32 = arith.constant 0 : i32
    %c0_i32_0 = arith.constant 0 : i32
    return %c0_i32, %arg0 : i32, i32
  }
  func.func @transform_4(%arg0: i32) -> (i32, i32) {
    %c0_i32 = arith.constant 0 : i32
    %c0_i32_0 = arith.constant 0 : i32
    return %arg0, %c0_i32 : i32, i32
  }
  func.func @transform_5(%arg0: i32) -> (i32, i32) {
    %c0_i32 = arith.constant 0 : i32
    %c0_i32_0 = arith.constant 0 : i32
    return %arg0, %c0_i32 : i32, i32
  }
}

module attributes {stable_mosaic.version = 14 : i64} {
  func.func @_tc2_body(%arg0: i32, %arg1: memref<1024x128xf32, #tpu.memory_space<vmem>>, %arg2: memref<1024x1xf32, #tpu.memory_space<vmem>>, %arg3: memref<128x128xf32, #tpu.memory_space<vmem>>, %arg4: memref<1x128xf32, #tpu.memory_space<vmem>>, %arg5: memref<1024x128xf32, #tpu.memory_space<vmem>>) attributes {dimension_semantics = [#tpu.dimension_semantics<arbitrary>], iteration_bounds = array<i64: 10>, scalar_prefetch = 0 : i64, scratch_operands = 0 : i64, tpu.core_type = #tpu.core_type<tc>, window_params = [{transform_indices = @transform_0, window_bounds = array<i64: 1024, 128>}, {transform_indices = @transform_1, window_bounds = array<i64: 1024, 1>}, {pipeline_mode = #tpu.pipeline_mode<synchronous>, transform_indices = @transform_2, window_bounds = array<i64: 128, 128>}, {pipeline_mode = #tpu.pipeline_mode<synchronous>, transform_indices = @transform_3, window_bounds = array<i64: 1, 128>}, {transform_indices = @transform_4, window_bounds = array<i64: 1024, 128>}]} {
    %get3A = arith.constant 0 : index
    %get3A_0 = arith.constant 0 : index
    %get3A_1 = vector.load %arg2[%get3A, %get3A_0] : memref<1024x1xf32, #tpu.memory_space<vmem>>, vector<1024x1xf32>
    %get3A_2 = arith.constant 0 : index
    %get3A_3 = arith.constant 0 : index
    %get3A_4 = vector.load %arg1[%get3A_2, %get3A_3] : memref<1024x128xf32, #tpu.memory_space<vmem>>, vector<1024x128xf32>
    %mul3A = vector.broadcast %get3A_1 : vector<1024x1xf32> to vector<1024x128xf32>
    %mul3A_5 = arith.mulf %get3A_4, %mul3A : vector<1024x128xf32>
    %max3A = arith.constant 0.000000e+00 : f32
    %max3A_6 = vector.broadcast %max3A : f32 to vector<1024x128xf32>
    %max3A_7 = arith.maximumf %mul3A_5, %max3A_6 : vector<1024x128xf32>
    %get3A_8 = arith.constant 0 : index
    %get3A_9 = arith.constant 0 : index
    %get3A_10 = vector.load %arg3[%get3A_8, %get3A_9] : memref<128x128xf32, #tpu.memory_space<vmem>>, vector<128x128xf32>
    %dot_general3A = arith.constant dense<0.000000e+00> : vector<1024x128xf32>
    %dot_general3A_11 = tpu.matmul %max3A_7, %get3A_10, %dot_general3A {dimension_numbers = #tpu.dot_dimension_numbers<[1], [0], [0], [1], [0, 0, 1, 1], [], []>, transpose_lhs_hint = false} : vector<1024x128xf32>, vector<128x128xf32>, vector<1024x128xf32> -> vector<1024x128xf32>
    %get3A_12 = arith.constant 0 : index
    %get3A_13 = arith.constant 0 : index
    %get3A_14 = vector.load %arg4[%get3A_12, %get3A_13] : memref<1x128xf32, #tpu.memory_space<vmem>>, vector<1x128xf32>
    %add3A = vector.broadcast %get3A_14 : vector<1x128xf32> to vector<1024x128xf32>
    %add3A_15 = arith.addf %dot_general3A_11, %add3A : vector<1024x128xf32>
    %mul3A_16 = vector.broadcast %get3A_1 : vector<1024x1xf32> to vector<1024x128xf32>
    %mul3A_17 = arith.mulf %add3A_15, %mul3A_16 : vector<1024x128xf32>
    %swap3A = arith.constant 0 : index
    %swap3A_18 = arith.constant 0 : index
    %swap3A_19 = vector.load %arg5[%swap3A, %swap3A_18] : memref<1024x128xf32, #tpu.memory_space<vmem>>, vector<1024x128xf32>
    tpu.vector_store %arg5[%swap3A, %swap3A_18], %mul3A_17 {strides = array<i32>} : memref<1024x128xf32, #tpu.memory_space<vmem>>, vector<1024x128xf32>,
    return
  }
  func.func @transform_0(%arg0: i32) -> (i32, i32) {
    %c0_i32 = arith.constant 0 : i32
    %c0_i32_0 = arith.constant 0 : i32
    return %arg0, %c0_i32 : i32, i32
  }
  func.func @transform_1(%arg0: i32) -> (i32, i32) {
    %c0_i32 = arith.constant 0 : i32
    %c0_i32_0 = arith.constant 0 : i32
    return %arg0, %c0_i32 : i32, i32
  }
  func.func @transform_2(%arg0: i32) -> (i32, i32) {
    %c0_i32 = arith.constant 0 : i32
    %c0_i32_0 = arith.constant 0 : i32
    %c0_i32_1 = arith.constant 0 : i32
    return %c0_i32, %c0_i32_0 : i32, i32
  }
  func.func @transform_3(%arg0: i32) -> (i32, i32) {
    %c0_i32 = arith.constant 0 : i32
    %c0_i32_0 = arith.constant 0 : i32
    %c0_i32_1 = arith.constant 0 : i32
    return %c0_i32, %c0_i32_0 : i32, i32
  }
  func.func @transform_4(%arg0: i32) -> (i32, i32) {
    %c0_i32 = arith.constant 0 : i32
    %c0_i32_0 = arith.constant 0 : i32
    return %arg0, %c0_i32 : i32, i32
  }
}

module attributes {stable_mosaic.version = 14 : i64} {
  func.func @_tc3_body(%arg0: i32, %arg1: memref<2000x128xf32, #tpu.memory_space<vmem>>, %arg2: memref<2000x1xf32, #tpu.memory_space<vmem>>, %arg3: memref<2000x64xf32, #tpu.memory_space<vmem>>, %arg4: memref<64x128xf32, #tpu.memory_space<vmem>>, %arg5: memref<1x128xf32, #tpu.memory_space<vmem>>, %arg6: memref<1x1xf32, #tpu.memory_space<vmem>>, %arg7: memref<2000x128xf32, #tpu.memory_space<vmem>>) attributes {dimension_semantics = [#tpu.dimension_semantics<arbitrary>], iteration_bounds = array<i64: 5>, scalar_prefetch = 0 : i64, scratch_operands = 0 : i64, tpu.core_type = #tpu.core_type<tc>, window_params = [{transform_indices = @transform_0, window_bounds = array<i64: 2000, 128>}, {transform_indices = @transform_1, window_bounds = array<i64: 2000, 1>}, {transform_indices = @transform_2, window_bounds = array<i64: 2000, 64>}, {pipeline_mode = #tpu.pipeline_mode<synchronous>, transform_indices = @transform_3, window_bounds = array<i64: 64, 128>}, {pipeline_mode = #tpu.pipeline_mode<synchronous>, transform_indices = @transform_4, window_bounds = array<i64: 1, 128>}, {pipeline_mode = #tpu.pipeline_mode<synchronous>, transform_indices = @transform_5, window_bounds = array<i64: 1, 1>}, {transform_indices = @transform_6, window_bounds = array<i64: 2000, 128>}]} {
    %get3A = arith.constant 0 : index
    %get3A_0 = arith.constant 0 : index
    %get3A_1 = vector.load %arg1[%get3A, %get3A_0] : memref<2000x128xf32, #tpu.memory_space<vmem>>, vector<2000x128xf32>
    %get3A_2 = arith.constant 0 : index
    %get3A_3 = arith.constant 0 : index
    %get3A_4 = vector.load %arg2[%get3A_2, %get3A_3] : memref<2000x1xf32, #tpu.memory_space<vmem>>, vector<2000x1xf32>
    %mul3A = vector.broadcast %get3A_4 : vector<2000x1xf32> to vector<2000x128xf32>
    %mul3A_5 = arith.mulf %get3A_1, %mul3A : vector<2000x128xf32>
    %get3A_6 = arith.constant 0 : index
    %get3A_7 = arith.constant 0 : index
    %get3A_8 = vector.load %arg3[%get3A_6, %get3A_7] : memref<2000x64xf32, #tpu.memory_space<vmem>>, vector<2000x64xf32>
    %get3A_9 = arith.constant 0 : index
    %get3A_10 = arith.constant 0 : index
    %get3A_11 = vector.load %arg4[%get3A_9, %get3A_10] : memref<64x128xf32, #tpu.memory_space<vmem>>, vector<64x128xf32>
    %dot_general3A = arith.constant dense<0.000000e+00> : vector<2000x128xf32>
    %dot_general3A_12 = tpu.matmul %get3A_8, %get3A_11, %dot_general3A {dimension_numbers = #tpu.dot_dimension_numbers<[1], [0], [0], [1], [0, 0, 1, 1], [], []>, transpose_lhs_hint = false} : vector<2000x64xf32>, vector<64x128xf32>, vector<2000x128xf32> -> vector<2000x128xf32>
    %get3A_13 = arith.constant 0 : index
    %get3A_14 = arith.constant 0 : index
    %get3A_15 = vector.load %arg5[%get3A_13, %get3A_14] : memref<1x128xf32, #tpu.memory_space<vmem>>, vector<1x128xf32>
    %add3A = vector.broadcast %get3A_15 : vector<1x128xf32> to vector<2000x128xf32>
    %add3A_16 = arith.addf %dot_general3A_12, %add3A : vector<2000x128xf32>
    %get3A_17 = arith.constant 0 : index
    %get3A_18 = arith.constant 0 : index
    %get3A_19 = vector.load %arg6[%get3A_17, %get3A_18] : memref<1x1xf32, #tpu.memory_space<vmem>>, vector<1x1xf32>
    %get3A_20 = vector.extract %get3A_19[0, 0] : f32 from vector<1x1xf32>
    %mul3A_21 = vector.broadcast %get3A_20 : f32 to vector<2000x128xf32>
    %mul3A_22 = arith.mulf %mul3A_21, %mul3A_5 : vector<2000x128xf32>
    %sub3A = arith.constant 1.000000e+00 : f32
    %sub3A_23 = arith.subf %sub3A, %get3A_20 : f32
    %mul3A_24 = vector.broadcast %sub3A_23 : f32 to vector<2000x128xf32>
    %mul3A_25 = arith.mulf %mul3A_24, %add3A_16 : vector<2000x128xf32>
    %add3A_26 = arith.addf %mul3A_22, %mul3A_25 : vector<2000x128xf32>
    %swap3A = arith.constant 0 : index
    %swap3A_27 = arith.constant 0 : index
    %swap3A_28 = vector.load %arg7[%swap3A, %swap3A_27] : memref<2000x128xf32, #tpu.memory_space<vmem>>, vector<2000x128xf32>
    tpu.vector_store %arg7[%swap3A, %swap3A_27], %add3A_26 {strides = array<i32>} : memref<2000x128xf32, #tpu.memory_space<vmem>>, vector<2000x128xf32>,
    return
  }
  func.func @transform_0(%arg0: i32) -> (i32, i32) {
    %c0_i32 = arith.constant 0 : i32
    %c0_i32_0 = arith.constant 0 : i32
    return %arg0, %c0_i32 : i32, i32
  }
  func.func @transform_1(%arg0: i32) -> (i32, i32) {
    %c0_i32 = arith.constant 0 : i32
    %c0_i32_0 = arith.constant 0 : i32
    return %arg0, %c0_i32 : i32, i32
  }
  func.func @transform_2(%arg0: i32) -> (i32, i32) {
    %c0_i32 = arith.constant 0 : i32
    %c0_i32_0 = arith.constant 0 : i32
    return %arg0, %c0_i32 : i32, i32
  }
  func.func @transform_3(%arg0: i32) -> (i32, i32) {
    %c0_i32 = arith.constant 0 : i32
    %c0_i32_0 = arith.constant 0 : i32
    %c0_i32_1 = arith.constant 0 : i32
    return %c0_i32, %c0_i32_0 : i32, i32
  }
  func.func @transform_4(%arg0: i32) -> (i32, i32) {
    %c0_i32 = arith.constant 0 : i32
    %c0_i32_0 = arith.constant 0 : i32
    %c0_i32_1 = arith.constant 0 : i32
    return %c0_i32, %c0_i32_0 : i32, i32
  }
  func.func @transform_5(%arg0: i32) -> (i32, i32) {
    %c0_i32 = arith.constant 0 : i32
    %c0_i32_0 = arith.constant 0 : i32
    %c0_i32_1 = arith.constant 0 : i32
    return %c0_i32, %c0_i32_0 : i32, i32
  }
  func.func @transform_6(%arg0: i32) -> (i32, i32) {
    %c0_i32 = arith.constant 0 : i32
    %c0_i32_0 = arith.constant 0 : i32
    return %arg0, %c0_i32 : i32, i32
  }
}

</mosaic_0001>

<sc_bundles>
// kernel: kernel.11.cloned.1.call-start
scs
__scs_entry_jumppad:
0x0: {  	(pc) =	sbr.rel $0x88, $3  }
0x1: {  	(tag) =	ssettag $0x0;
	lr =	simm.s32 $0x1  }
0x2: {  	[smem:$0x3F97] =	sst lr;
	_ =	strace $0xD0000000  }
0x3: {  	_ = 	snop  }
0x4: {  	_ = 	snop  }
0x5: {  	_ = 	snop  }
0x6: {  	_ = 	snop  }
0x7: {  	_ = 	snop  }
__scs_overlays_trampoline_lowered:
0x8: {  	[smem:$0x3FA6] =	sst s0  }
0x9: {  	[smem:$0x3FA7] =	sst s1  }
0xa: {  	[smem:$0x3FA8] =	sst s2  }
0xb: {  	[smem:$0x3FA9] =	sst s3  }
0xc: {  	[smem:$0x3FAA] =	sst s4  }
0xd: {  	[smem:$0x3FAB] =	sst s5  }
0xe: {  	[smem:$0x3FAC] =	sst s6  }
0xf: {  	[smem:$0x3FAD] =	sst s7  }
0x10: {  	[smem:$0x3FAE] =	sst s8  }
0x11: {  	[smem:$0x3FAF] =	sst s9;
	s0 =	simm.s32 @!p0 $0x0  }
0x12: {  	s1 =	sld [smem:$0x3F95];
	s0 =	simm.s32 @p0 $0x1  }
0x13: {  	[smem:$0x3FB0] =	sst s0;
	s0 =	simm.s32 @!p1 $0x0  }
0x14: {  	s2 =	sld [smem:$0x3F94];
	s0 =	simm.s32 @p1 $0x1  }
0x15: {  	[smem:$0x3FB1] =	sst s0;
	s0 =	simm.s32 @!p2 $0x0  }
0x16: {  	s3 =	sld [smem:$0x3FDB];
	s0 =	simm.s32 @p2 $0x1  }
0x17: {  	s4 =	simm.s32 $0x1BF5;
	[smem:$0x3FB3] =	sst s0  }
0x18: {  	s0 =	sld [smem:$0x3F96];
	_ =	swait.ge [sflag:s4], $0x0  }
0x19: {  	s7 =	sld [smem:$0x3F97]  }
0x1a: {  	s8 =	sadd.s32 $0xFFFFE003, lr  }
0x1b: {  	s9 =	sadd.s32 $0xFFFFFEF7, lr;
	s5 =	simm.s32 $0xFFFFFFFF;
	p2 =	slt.u32 s8, $0xFFFFF086  }
0x1c: {  	p1 =	slt.u32 s9, $0xF7A;
	s5 =	simm.s32 @!p2 $0x0  }
0x1d: {  	s5 =	simm.s32 @p1 $0x1;
	p0 =	seq.s32 s7, s2  }
0x1e: {  	s7 =	smul.u32 @!p0 $0xF7A, s2;
	p2 =	seq.s32 @!p0 s5, $0x0  }
0x1f: {  	s9 =	smul.u32 $0xF7A, s1;
	s8 =	simm.s32 @!p0 $0x1BF5;
	p2 =	por !p2, p0  }
0x20: {  	[sflag:s8] =	ssyncset.s32 @!p0 $0xFFFFF086;
	s6 =	sadd.s32 @!p0 s3, s7;
	s7 =	simm.s32 @!p0 $0x108  }
0x21: {  	s3 =	sadd.s32 s3, s9;
	s6 =	sadd.s32 @!p0 $0x88, s6;
	s7 =	simm.s32 @p2 $0x1082  }
0x22: {  	[simem:s7], [sflag:s8] =	dma.local @!p0 [hbm:s6], $0xF7A  }
0x23: {  	s9 =	sor.u32 $0xD0000000, s2;
	s6 =	simm.s32 $0x108;
	_ =	swait.ge @!p0 [sflag:s8], $0x0  }
0x24: {  	s3 =	sadd.s32 $0x88, s3;
	s6 =	simm.s32 @!p1 $0x1082;
	[sflag:s4] =	ssyncset.s32 $0xFFFFF086  }
0x25: {  	[simem:s6], [sflag:s4] =	dma.local [hbm:s3], $0xF7A  }
0x26: {  	[smem:$0x3F97] =	sst s1;
	(tag) =	ssettag s2;
	_ =	strace s9  }
0x27: {  	s1 =	sld [smem:$0x3FA7]  }
0x28: {  	s2 =	sld [smem:$0x3FA8]  }
0x29: {  	s4 =	sld [smem:$0x3FAA]  }
0x2a: {  	p0 =	seq.s32 s5, $0x0;
	s5 =	sld [smem:$0x3FAB]  }
0x2b: {  	s6 =	sld [smem:$0x3FAC]  }
0x2c: {  	s7 =	sld [smem:$0x3FAD]  }
0x2d: {  	s3 =	simm.s32 $0x108;
	s8 =	sld [smem:$0x3FAE]  }
0x2e: {  	s3 =	simm.s32 @!p0 $0x1082;
	s9 =	sld [smem:$0x3FAF]  }
0x2f: {  	lr =	sadd.s32 s0, s3;
	s0 =	sld [smem:$0x3FA6]  }
0x30: {  	s3 =	sld [smem:$0x3FA9]  }
0x31: {  	[smem:$0x3FB2] =	sst s10  }
0x32: {  	s10 =	sld [smem:$0x3FB0];
	_ =	sdelay $0x3  }
0x33: {  	p0 =	seq.s32 s10, $0x1;
	s10 =	sld [smem:$0x3FB2];
	_ =	sdelay $0x3  }
0x34: {  	[smem:$0x3FB2] =	sst s10  }
0x35: {  	s10 =	sld [smem:$0x3FB1];
	_ =	sdelay $0x3  }
0x36: {  	p1 =	seq.s32 s10, $0x1;
	s10 =	sld [smem:$0x3FB2];
	_ =	sdelay $0x3  }
0x37: {  	[smem:$0x3FB2] =	sst s10  }
0x38: {  	s10 =	sld [smem:$0x3FB3]  }
0x39: {  	_ = 	snop;
	(pc) =	sbr.ind lr, $3  }
0x3a: {  	_ = 	snop  }
0x3b: {  	_ = 	snop  }
0x3c: {  	p2 =	seq.s32 s10, $0x1;
	s10 =	sld [smem:$0x3FB2]  }
0x3d: {  	_ =	shalt  }
0x3e: {  	_ =	shalt  }
0x3f: {  	_ =	shalt  }
0x40: {  	_ =	shalt  }
0x41: {  	_ =	shalt  }
0x42: {  	_ =	shalt  }
0x43: {  	_ =	shalt  }
0x44: {  	_ =	shalt  }
0x45: {  	_ =	shalt  }
0x46: {  	_ =	shalt  }
0x47: {  	_ =	shalt  }
0x48: {  	_ =	shalt  }
0x49: {  	_ =	shalt  }
0x4a: {  	_ =	shalt  }
0x4b: {  	_ =	shalt  }
0x4c: {  	_ =	shalt  }
0x4d: {  	_ =	shalt  }
0x4e: {  	_ =	shalt  }
0x4f: {  	_ =	shalt  }
0x50: {  	_ =	shalt  }
0x51: {  	_ =	shalt  }
0x52: {  	_ =	shalt  }
0x53: {  	_ =	shalt  }
0x54: {  	_ =	shalt  }
0x55: {  	_ =	shalt  }
0x56: {  	_ =	shalt  }
0x57: {  	_ =	shalt  }
0x58: {  	_ =	shalt  }
0x59: {  	_ =	shalt  }
0x5a: {  	_ =	shalt  }
0x5b: {  	_ =	shalt  }
0x5c: {  	_ =	shalt  }
0x5d: {  	_ =	shalt  }
0x5e: {  	_ =	shalt  }
0x5f: {  	_ =	shalt  }
0x60: {  	_ =	shalt  }
0x61: {  	_ =	shalt  }
0x62: {  	_ =	shalt  }
0x63: {  	_ =	shalt  }
0x64: {  	_ =	shalt  }
0x65: {  	_ =	shalt  }
0x66: {  	_ =	shalt  }
0x67: {  	_ =	shalt  }
0x68: {  	_ =	shalt  }
0x69: {  	_ =	shalt  }
0x6a: {  	_ =	shalt  }
0x6b: {  	_ =	shalt  }
0x6c: {  	_ =	shalt  }
0x6d: {  	_ =	shalt  }
0x6e: {  	_ =	shalt  }
0x6f: {  	_ =	shalt  }
0x70: {  	_ =	shalt  }
0x71: {  	_ =	shalt  }
0x72: {  	_ =	shalt  }
0x73: {  	_ =	shalt  }
0x74: {  	_ =	shalt  }
0x75: {  	_ =	shalt  }
0x76: {  	_ =	shalt  }
0x77: {  	_ =	shalt  }
0x78: {  	_ =	shalt  }
0x79: {  	_ =	shalt  }
0x7a: {  	_ =	shalt  }
0x7b: {  	_ =	shalt  }
0x7c: {  	_ =	shalt  }
0x7d: {  	_ =	shalt  }
0x7e: {  	_ =	shalt  }
0x7f: {  	_ =	shalt  }
0x80: {  	_ =	shalt  }
0x81: {  	_ =	shalt  }
0x82: {  	_ =	shalt  }
0x83: {  	_ =	shalt  }
0x84: {  	_ =	shalt  }
0x85: {  	_ =	shalt  }
0x86: {  	_ =	shalt  }
0x87: {  	_ =	shalt  }
.Lfunc_end0:
.L_simem_size_0:
called_computation.1_lowered:
.L_overlay_start_0:
0x88: {  	s2 =	sld [smem:$0x3FD9]  }
0x89: {  	s3 =	sld [smem:$0x3FFE];
	_ =	sdelay $0x1  }
0x8a: {  	s1 =	srdreg.scid  }
0x8b: {  	s0 =	sand.u32 $0x1, s1  }
0x8c: {  	s17 =	sshll.u32 s0, $0xA;
	s2 =	sadd.s32 s3, s2  }
0x8d: {  	s2 =	sadd.s32 s2, s17  }
0x8e: {  	[smem:$0x3FBE] =	sst s2  }
0x8f: {  	_ = 	snop  }
0x90: {  	s2 =	sld [smem:$0x3FD0];
	(tm) =	ssettm $0x1  }
0x91: {  	s18 =	sld [smem:$0x3FFB];
	_ =	sdelay $0x3  }
0x92: {  	_ =	strace s18  }
0x93: {  	s3 =	sld [smem:$0x3FFC];
	_ =	sdelay $0x3  }
0x94: {  	_ =	strace s3  }
0x95: {  	s3 =	sld [smem:$0x3FFD];
	_ =	sdelay $0x3  }
0x96: {  	_ =	strace s3  }
0x97: {  	_ =	strace $0x8FFFFFFF  }
0x98: {  	s19 =	sld [smem:$0x3FDB];
	_ =	sdelay $0x1  }
0x99: {  	s4 =	simm.s32 $_scs_section_size  }
0x9a: {  	s5 =	simm.s32 $_size__tile_overlayer_lowered;
	s6 =	simm.s32 $_tile_overlayer_lowered  }
0x9b: {  	s22 =	simm.s32 $0x1BFF;
	s21 =	sshll.u32 s6, $0x1;
	s3 =	sadd.s32 s4, s19  }
0x9c: {  	s7 =	simm.s32 $0x0;
	s20 =	sshll.u32 s5, $0x1;
	s5 =	sadd.s32 s21, s3  }
0x9d: {  	[timem:s7], [sflag:s22] =	dma.local [hbm:s5], s20  }
0x9e: {  	_ =	swait.ge [sflag:s22], s20  }
0x9f: {  	s4 =	ssub.s32 $0x0, s20;
	[sflag:s22] =	ssyncset.done $0x0  }
0xa0: {  	[sflag:s22] =	ssyncadd.s32 s4;
	_ =	sdelay $0x1  }
0xa1: {  	s23 =	simm.s32 $0x1B8B  }
0xa2: {  	_ =	swait.ge [sflag:s23], $0x1  }
0xa3: {  	[sflag:s23] =	ssyncset.done $0x0  }
0xa4: {  	s25 =	simm.s32 $0x1B8E;
	s24 =	sld [smem:$0x3FFE];
	[sflag:s23] =	ssyncadd.s32 $0xFFFFFFFF  }
0xa5: {  	s26 =	simm.s32 $execute0_lowered;
	[smem:$0x3FD2] =	sst s25  }
0xa6: {  	s5 =	sshll.u32 s26, $0x1;
	_ =	strace $0x80000049;
	[dreg:$0x1] =	wrdreg $0xFFFFFFFF  }
0xa7: {  	s28 =	simm.s32 $_size_execute0_lowered;
	s3 =	sadd.s32 s3, s5;
	[dreg:$0x0] =	wrdreg $0x0  }
0xa8: {  	s5 =	sshll.u32 s28, $0x1;
	[dreg:$0x2] =	wrdreg s3  }
0xa9: {  	[dreg:$0x3] =	wrdreg s5  }
0xaa: {  	[dreg:$0x4] =	wrdreg $0xC0  }
0xab: {  	_ =	task [dreg:s7], $0x5FFFF  }
0xac: {  	[dreg:$0x1] =	wrdreg $0xFFFFFFFF  }
0xad: {  	[dreg:$0x0] =	wrdreg $0x60  }
0xae: {  	[dreg:$0x2] =	wrdreg s24  }
0xaf: {  	[dreg:$0x3] =	wrdreg s2  }
0xb0: {  	[dreg:$0x4] =	wrdreg $0x0  }
0xb1: {  	[dreg:$0x5] =	wrdreg $0xA0000  }
0xb2: {  	[dreg:$0x6] =	wrdreg $0x9  }
0xb3: {  	_ =	task.clear_ibuf [dreg:s7], $0x7FFFF;
	_ =	strace $0x90000049  }
0xb4: {  	s29 =	simm.s32 $0x9;
	_ =	strace $0x8000004B  }
0xb5: {  	_ =	swait.ge [sflag:s29], $0x1  }
0xb6: {  	[sflag:s29] =	ssyncadd.s32 $0xFFFFFFFF  }
0xb7: {  	_ =	strace $0x9000004B  }
0xb8: {  	_ =	sfence  }
0xb9: {  	s30 =	sld [smem:$0x0];
	_ =	sdelay $0x2  }
0xba: {  	s31 =	sshll.u32 s1, $0xD;
	s1 =	sshrl.u32 s1, $0x2  }
0xbb: {  	s3 =	sand.u32 $0x4000, s31;
	s1 =	sadd.s32 s1, s30  }
0xbc: {  	s0 =	sor.u32 s3, s0;
	s1 =	sshll.u32 s1, $0x11  }
0xbd: {  	s0 =	sor.u32 s1, s0  }
0xbe: {  	s0 =	sadd.s32 $0x8F2B, s0  }
0xbf: {  	[sflag:s0] =	ssyncadd.remote.s32 $0x1  }
0xc0: {  	_ =	sfence.sel $0xFFFF  }
0xc1: {  	[dreg:$0x0] =	wrdreg $0xFFFFFFFF;
	(pc) =	sbr.abs _section_cstart, $3  }
0xc2: {  	[dreg:$0x1] =	wrdreg $0xFFFFFFFF  }
0xc3: {  	_ =	task.clear_ibuf [dreg:s7], $0x2FFFF;
	_ =	strace $0x9FFFFFFF  }
0xc4: {  	(tm) =	ssettm $0x7FFFFFFF  }
0xc5: {  	_ =	shalt  }
tec
execute0_lowered:
.L_overlay_start_1:
0x0: {  	(tag) =	ssettag $0x1  }
0x1: {  	s5 =	rddreg [dreg:$0x0]  }
0x2: {  	s11 =	rddreg [dreg:$0x1]  }
0x3: {  	s2 =	rddreg [dreg:$0x2]  }
0x4: {  	s3 =	rddreg [dreg:$0x3];
	s6 =	srdreg.scid  }
0x5: {  	s1 =	stileid.u32;
	s4 =	simm.s32 $0x0;
	s15 =	simm.s32 $0x8  }
0x6: {  	s16 =	simm.s32 $0x10;
	s17 =	simm.s32 $0x3;
	s19 =	simm.s32 $0x14000  }
0x7: {  	s20 =	simm.s32 $0x16800;
	s21 =	simm.s32 $0x7D;
	s22 =	simm.s32 $0x19000  }
0x8: {  	s23 =	simm.s32 $0x14080;
	s24 =	simm.s32 $0x1AF40;
	s25 =	simm.s32 $0x2  }
0x9: {  	s26 =	simm.s32 $0x18F00;
	s28 =	simm.s32 $0x18F80;
	s29 =	simm.s32 $0x0  }
0xa: {  	s6 =	sand.u32 $0x1, s6;
	s7 =	smul.u32 $0x14000, s1;
	[smem:$0x7FF] =	sst s4  }
0xb: {  	s9 =	smul.u32 $0xA000, s1;
	s12 =	sadd.s32 $0x16400, s5;
	s31 =	sshll.u32 s1, $0x6  }
0xc: {  	s10 =	smul.u32 $0x5000, s1;
	s8 =	sshll.u32 s6, $0x6;
	s6 =	ssub.s32 $0x2, s6  }
0xd: {  	_ =	strace $0x8000004A;
	s7 =	sor.u32 s8, s7;
	s30 =	sshrl.u32 s6, $0x1  }
0xe: {  	s13 =	sadd.s32 s9, s2;
	s18 =	sadd.s32 s9, s3;
	s14 =	sshrl.u32 s10, $0x3  }
0xf: {  	s7 =	sshrl.u32 s7, $0x3;
	s8 =	ssub.s32 s6, s30;
	s6 =	sor.u32 $0x1C03, s31  }
0x10: {  	s9 =	sadd.s32 s11, s14;
	s10 =	sadd.s32 s12, s14;
	s14 =	sadd.s32 $0x500, s14  }
0x11: {  	s13 =	sshrl.u32 s13, $0x3;
	s18 =	sshrl.u32 s18, $0x3;
	s7 =	sadd.s32 s7, s5  }
0x12: {  	s8 =	smax.u32 s8, $0x1;
	s11 =	sadd.s32 s11, s14;
	s12 =	sadd.s32 s12, s14  }
0x13: {  	s14 =	simm.s32 $0x1;
	s5 =	sadd.s32 $0x20400, s7;
	s7 =	sadd.s32 $0x48400, s7  }
.LBB2_1:
0x14: {  	[spmem:s13@s15], [sflag:s6] =	dma.strided [hbm:s5@s16], $0x1400, s14, $0x8   }
0x15: {  	_ =	swait.ge [sflag:s17], $0x1400  }
0x16: {  	[sflag:s17] =	ssyncset.done $0x0  }
0x17: {  	[sflag:s17] =	ssyncadd.s32 $0xFFFFEC00  }
0x18: {  	[spmem:s18@s15], [sflag:s6] =	dma.strided [hbm:s5@s16], $0x1400, s14, $0x8   }
0x19: {  	_ =	swait.ge [sflag:s17], $0x1400  }
0x1a: {  	[sflag:s17] =	ssyncset.done $0x0  }
0x1b: {  	[sflag:s17] =	ssyncadd.s32 $0xFFFFEC00  }
0x1c: {  	[bflag:$0x0] =	sbarrier.arrive $0xFFFF  }
0x1d: {  	[tilespmem:s19], [sflag:$0x3] =	stream.linear.gather [hbm4b:s9+s4], $0x2800, $0x38;
	[tilespmem:$0x1CE80] =	vst v63  }
0x1e: {  	_ =	swait.ge [sflag:s17], $0x2800  }
0x1f: {  	[sflag:s17] =	ssyncset.done $0x0  }
0x20: {  	[sflag:s17] =	ssyncadd.s32 $0xFFFFD800  }
0x21: {  	[tilespmem:s20], [sflag:$0x3] =	stream.linear.gather [hbm4b:s10+s4], $0x2800, $0x38;
	[tilespmem:$0x1CE80] =	vst v63  }
0x22: {  	_ =	swait.ge [sflag:s17], $0x2800  }
0x23: {  	[sflag:s17] =	ssyncset.done $0x0  }
0x24: {  	[sflag:s17] =	ssyncadd.s32 $0xFFFFD800  }
0x25: {  	[tilespmem:s22], [sflag:$0x1] =	stream.indirect.gather [spmem:s2], $0x40, s19, s21, $0xb8;
	[tilespmem:$0x1CE80] =	vst v63  }
0x26: {  	_ = 	snop  }
0x27: {  	[tilespmem:s24], [sflag:$0x2] =	stream.indirect.gather [spmem:s2], $0x40, s23, s21, $0xb8;
	[tilespmem:$0x1CE80] =	vst v63  }
0x28: {  	_ =	swait.ge [sflag:s14], $0x1F40  }
0x29: {  	[sflag:s14] =	ssyncset.done $0x0  }
0x2a: {  	s30 =	simm.s32 $0x16800;
	[sflag:s14] =	ssyncadd.s32 $0xFFFFE0C0  }
0x2b: {  	[spmem:s3] =	stream.indirect.scatter.add.f32 [tilespmem:s22], [sflag:$0x3], $0x40, s30, s21, $0xb8;
	[tilespmem:$0x1CE80] =	vst v63  }
0x2c: {  	_ =	swait.ge [sflag:s17], $0x1F40  }
0x2d: {  	[sflag:s17] =	ssyncset.done $0x0  }
0x2e: {  	s30 =	simm.s32 $0x14100;
	[sflag:s17] =	ssyncadd.s32 $0xFFFFE0C0  }
0x2f: {  	[tilespmem:s22], [sflag:$0x1] =	stream.indirect.gather [spmem:s2], $0x40, s30, s21, $0xb8;
	[tilespmem:$0x1CE80] =	vst v63  }
0x30: {  	_ =	swait.ge [sflag:s25], $0x1F40  }
0x31: {  	[sflag:s25] =	ssyncset.done $0x0  }
0x32: {  	s30 =	simm.s32 $0x16880;
	[sflag:s25] =	ssyncadd.s32 $0xFFFFE0C0  }
0x33: {  	[spmem:s3] =	stream.indirect.scatter.add.f32 [tilespmem:s24], [sflag:$0x3], $0x40, s30, s21, $0xb8;
	[tilespmem:$0x1CE80] =	vst v63  }
0x34: {  	_ =	swait.ge [sflag:s17], $0x1F40  }
0x35: {  	[sflag:s17] =	ssyncset.done $0x0  }
0x36: {  	s31 =	simm.s32 $0x14180;
	s30 =	simm.s32 $0x400;
	[sflag:s17] =	ssyncadd.s32 $0xFFFFE0C0  }
.LBB2_2:
0x37: {  	[tilespmem:s24], [sflag:$0x2] =	stream.indirect.gather [spmem:s2], $0x40, s31, s21, $0xb8;
	[tilespmem:$0x1CE80] =	vst v63  }
0x38: {  	s31 =	smov.u32 s30  }
0x39: {  	p0 =	sne.s32 s30, $0x9800;
	s30 =	sadd.s32 $0x400, s30;
	_ =	swait.ge [sflag:s14], $0x1F40  }
0x3a: {  	s31 =	sshra.s32 s31, $0x2;
	[sflag:s14] =	ssyncset.done $0x0  }
0x3b: {  	s0 =	sadd.s32 $0x16800, s31;
	[sflag:s14] =	ssyncadd.s32 $0xFFFFE0C0  }
0x3c: {  	[spmem:s3] =	stream.indirect.scatter.add.f32 [tilespmem:s22], [sflag:$0x3], $0x40, s0, s21, $0xb8;
	[tilespmem:$0x1CE80] =	vst v63  }
0x3d: {  	_ =	swait.ge [sflag:s17], $0x1F40  }
0x3e: {  	[sflag:s17] =	ssyncset.done $0x0  }
0x3f: {  	s0 =	sadd.s32 $0x14100, s31;
	[sflag:s17] =	ssyncadd.s32 $0xFFFFE0C0  }
0x40: {  	[tilespmem:s22], [sflag:$0x1] =	stream.indirect.gather [spmem:s2], $0x40, s0, s21, $0xb8;
	[tilespmem:$0x1CE80] =	vst v63  }
0x41: {  	_ =	swait.ge [sflag:s25], $0x1F40  }
0x42: {  	[sflag:s25] =	ssyncset.done $0x0  }
.Ltmp0:
0x43: {  	s0 =	sadd.s32 $0x16880, s31;
	[sflag:s25] =	ssyncadd.s32 $0xFFFFE0C0;
	(pc) =	sbr.rel @p0 .LBB2_2-.Ltmp0, $4  }
0x44: {  	[spmem:s3] =	stream.indirect.scatter.add.f32 [tilespmem:s24], [sflag:$0x3], $0x40, s0, s21, $0xb8;
	[tilespmem:$0x1CE80] =	vst v63  }
0x45: {  	_ =	swait.ge [sflag:s17], $0x1F40  }
0x46: {  	[sflag:s17] =	ssyncset.done $0x0  }
0x47: {  	s31 =	sadd.s32 $0x14180, s31;
	[sflag:s17] =	ssyncadd.s32 $0xFFFFE0C0  }
0x48: {  	[tilespmem:s24], [sflag:$0x2] =	stream.indirect.gather [spmem:s2], $0x40, s31, s21, $0xb8;
	[tilespmem:$0x1CE80] =	vst v63  }
0x49: {  	_ =	swait.ge [sflag:s14], $0x1F40  }
0x4a: {  	[sflag:s14] =	ssyncset.done $0x0  }
0x4b: {  	[sflag:s14] =	ssyncadd.s32 $0xFFFFE0C0  }
0x4c: {  	[spmem:s3] =	stream.indirect.scatter.add.f32 [tilespmem:s22], [sflag:$0x3], $0x40, s26, s21, $0xb8;
	[tilespmem:$0x1CE80] =	vst v63  }
0x4d: {  	_ =	swait.ge [sflag:s17], $0x1F40  }
0x4e: {  	[sflag:s17] =	ssyncset.done $0x0  }
0x4f: {  	[sflag:s17] =	ssyncadd.s32 $0xFFFFE0C0  }
0x50: {  	_ =	swait.ge [sflag:s25], $0x1F40  }
0x51: {  	[sflag:s25] =	ssyncset.done $0x0  }
0x52: {  	[sflag:s25] =	ssyncadd.s32 $0xFFFFE0C0  }
0x53: {  	[spmem:s3] =	stream.indirect.scatter.add.f32 [tilespmem:s24], [sflag:$0x3], $0x40, s28, s21, $0xb8;
	[tilespmem:$0x1CE80] =	vst v63  }
0x54: {  	_ =	swait.ge [sflag:s17], $0x1F40  }
0x55: {  	[sflag:s17] =	ssyncset.done $0x0  }
0x56: {  	s0 =	simm.s32 $0x0;
	[sflag:s17] =	ssyncadd.s32 $0xFFFFE0C0  }
0x57: {  	[tilespmem:s19], [sflag:$0x3] =	stream.linear.gather [hbm4b:s11+s0], $0x2800, $0x38;
	[tilespmem:$0x1CE80] =	vst v63  }
0x58: {  	_ =	swait.ge [sflag:s17], $0x2800  }
0x59: {  	[sflag:s17] =	ssyncset.done $0x0  }
0x5a: {  	[sflag:s17] =	ssyncadd.s32 $0xFFFFD800  }
0x5b: {  	[tilespmem:s20], [sflag:$0x3] =	stream.linear.gather [hbm4b:s12+s0], $0x2800, $0x38;
	[tilespmem:$0x1CE80] =	vst v63  }
0x5c: {  	_ =	swait.ge [sflag:s17], $0x2800  }
0x5d: {  	[sflag:s17] =	ssyncset.done $0x0  }
0x5e: {  	[sflag:s17] =	ssyncadd.s32 $0xFFFFD800  }
0x5f: {  	[tilespmem:s22], [sflag:$0x1] =	stream.indirect.gather [spmem:s2], $0x40, s19, s21, $0xb8;
	[tilespmem:$0x1CE80] =	vst v63  }
0x60: {  	_ = 	snop  }
0x61: {  	[tilespmem:s24], [sflag:$0x2] =	stream.indirect.gather [spmem:s2], $0x40, s23, s21, $0xb8;
	[tilespmem:$0x1CE80] =	vst v63  }
0x62: {  	_ =	swait.ge [sflag:s14], $0x1F40  }
0x63: {  	[sflag:s14] =	ssyncset.done $0x0  }
0x64: {  	s0 =	simm.s32 $0x16800;
	[sflag:s14] =	ssyncadd.s32 $0xFFFFE0C0  }
0x65: {  	[spmem:s3] =	stream.indirect.scatter.add.f32 [tilespmem:s22], [sflag:$0x3], $0x40, s0, s21, $0xb8;
	[tilespmem:$0x1CE80] =	vst v63  }
0x66: {  	_ =	swait.ge [sflag:s17], $0x1F40  }
0x67: {  	[sflag:s17] =	ssyncset.done $0x0  }
0x68: {  	s0 =	simm.s32 $0x14100;
	[sflag:s17] =	ssyncadd.s32 $0xFFFFE0C0  }
0x69: {  	[tilespmem:s22], [sflag:$0x1] =	stream.indirect.gather [spmem:s2], $0x40, s0, s21, $0xb8;
	[tilespmem:$0x1CE80] =	vst v63  }
0x6a: {  	_ =	swait.ge [sflag:s25], $0x1F40  }
0x6b: {  	[sflag:s25] =	ssyncset.done $0x0  }
0x6c: {  	s0 =	simm.s32 $0x16880;
	[sflag:s25] =	ssyncadd.s32 $0xFFFFE0C0  }
0x6d: {  	[spmem:s3] =	stream.indirect.scatter.add.f32 [tilespmem:s24], [sflag:$0x3], $0x40, s0, s21, $0xb8;
	[tilespmem:$0x1CE80] =	vst v63  }
0x6e: {  	_ =	swait.ge [sflag:s17], $0x1F40  }
0x6f: {  	[sflag:s17] =	ssyncset.done $0x0  }
0x70: {  	s30 =	simm.s32 $0x400;
	s31 =	simm.s32 $0x14180;
	[sflag:s17] =	ssyncadd.s32 $0xFFFFE0C0  }
.LBB2_4:
0x71: {  	[tilespmem:s24], [sflag:$0x2] =	stream.indirect.gather [spmem:s2], $0x40, s31, s21, $0xb8;
	[tilespmem:$0x1CE80] =	vst v63  }
0x72: {  	s0 =	smov.u32 s30  }
0x73: {  	p0 =	sne.s32 s30, $0x9800;
	s30 =	sadd.s32 $0x400, s30;
	_ =	swait.ge [sflag:s14], $0x1F40  }
0x74: {  	s0 =	sshra.s32 s0, $0x2;
	[sflag:s14] =	ssyncset.done $0x0  }
0x75: {  	s31 =	sadd.s32 $0x16800, s0;
	[sflag:s14] =	ssyncadd.s32 $0xFFFFE0C0  }
0x76: {  	[spmem:s3] =	stream.indirect.scatter.add.f32 [tilespmem:s22], [sflag:$0x3], $0x40, s31, s21, $0xb8;
	[tilespmem:$0x1CE80] =	vst v63  }
0x77: {  	_ =	swait.ge [sflag:s17], $0x1F40  }
0x78: {  	[sflag:s17] =	ssyncset.done $0x0  }
0x79: {  	s31 =	sadd.s32 $0x14100, s0;
	[sflag:s17] =	ssyncadd.s32 $0xFFFFE0C0  }
0x7a: {  	[tilespmem:s22], [sflag:$0x1] =	stream.indirect.gather [spmem:s2], $0x40, s31, s21, $0xb8;
	[tilespmem:$0x1CE80] =	vst v63  }
0x7b: {  	_ =	swait.ge [sflag:s25], $0x1F40  }
0x7c: {  	[sflag:s25] =	ssyncset.done $0x0  }
.Ltmp1:
0x7d: {  	s31 =	sadd.s32 $0x16880, s0;
	[sflag:s25] =	ssyncadd.s32 $0xFFFFE0C0;
	(pc) =	sbr.rel @p0 .LBB2_4-.Ltmp1, $4  }
0x7e: {  	[spmem:s3] =	stream.indirect.scatter.add.f32 [tilespmem:s24], [sflag:$0x3], $0x40, s31, s21, $0xb8;
	[tilespmem:$0x1CE80] =	vst v63  }
0x7f: {  	_ =	swait.ge [sflag:s17], $0x1F40  }
0x80: {  	[sflag:s17] =	ssyncset.done $0x0  }
0x81: {  	s31 =	sadd.s32 $0x14180, s0;
	[sflag:s17] =	ssyncadd.s32 $0xFFFFE0C0  }
0x82: {  	[tilespmem:s24], [sflag:$0x2] =	stream.indirect.gather [spmem:s2], $0x40, s31, s21, $0xb8;
	[tilespmem:$0x1CE80] =	vst v63  }
0x83: {  	_ =	swait.ge [sflag:s14], $0x1F40  }
0x84: {  	[sflag:s14] =	ssyncset.done $0x0  }
0x85: {  	[sflag:s14] =	ssyncadd.s32 $0xFFFFE0C0  }
0x86: {  	[spmem:s3] =	stream.indirect.scatter.add.f32 [tilespmem:s22], [sflag:$0x3], $0x40, s26, s21, $0xb8;
	[tilespmem:$0x1CE80] =	vst v63  }
0x87: {  	_ =	swait.ge [sflag:s17], $0x1F40  }
0x88: {  	[sflag:s17] =	ssyncset.done $0x0  }
0x89: {  	[sflag:s17] =	ssyncadd.s32 $0xFFFFE0C0  }
0x8a: {  	_ =	swait.ge [sflag:s25], $0x1F40  }
0x8b: {  	[sflag:s25] =	ssyncset.done $0x0  }
0x8c: {  	[sflag:s25] =	ssyncadd.s32 $0xFFFFE0C0  }
0x8d: {  	[spmem:s3] =	stream.indirect.scatter.add.f32 [tilespmem:s24], [sflag:$0x3], $0x40, s28, s21, $0xb8;
	[tilespmem:$0x1CE80] =	vst v63  }
0x8e: {  	_ =	swait.ge [sflag:s17], $0x1F40  }
0x8f: {  	s29 =	sadd.s32 $0x1, s29;
	[sflag:s17] =	ssyncset.done $0x0  }
0x90: {  	p0 =	sne.s32 s29, s8;
	[sflag:s17] =	ssyncadd.s32 $0xFFFFE0C0  }
.Ltmp2:
0x91: {  	[bflag:$0x0] =	sbarrier.arrive $0xFFFF;
	(pc) =	sbr.rel @p0 .LBB2_1-.Ltmp2, $4  }
0x92: {  	[hbm:s7@s16], [sflag:s6] =	dma.strided [spmem:s18@s15], $0x1400, s14, $0x8   }
0x93: {  	_ =	swait.ge [sflag:s17], $0x1400  }
0x94: {  	[sflag:s17] =	ssyncset.done $0x0  }
0x95: {  	[sflag:s17] =	ssyncadd.s32 $0xFFFFEC00  }
0x96: {  	_ =	sfence.sel $0x180000  }
0x97: {  	[bflag:$0x0] =	sbarrier.arrive $0xFFFF  }
0x98: {  	_ =	strace $0x9000004A  }
0x99: {  	[bflag:$0x2] =	sbarrier.arrive $0xFFFF  }
0x9a: {  	p0 =	sne.s32 s1, $0x0;
	s0 =	rddreg [dreg:$0x4]  }
0x9b: {  	s0 =	sadd.s32 @!p0 $0x100000, s0  }
0x9c: {  	[sflag:s0] =	ssyncadd.tile.s32 @!p0 $0x1;
	_ =	shalt  }
.Lfunc_end2:
_tile_overlayer_lowered:
.L_overlay_start_2:
0x9d: {  	(tag) =	ssettag $0x2  }
0x9e: {  	s0 =	rddreg [dreg:$0x0];
	s2 =	stileid.u32  }
0x9f: {  	s1 =	rddreg [dreg:$0x1];
	p0 =	sne.s32 s2, $0x0  }
0xa0: {  	s3 =	rddreg [dreg:$0x2];
	[bflag:$0x3] =	sbarrier.arrive $0xFFFF;
	s2 =	simm.s32 @!p0 $0x1C03  }
0xa1: {  	[timem:s3], [sflag:s2] =	dma.local @!p0 [hbm:s0], s1  }
0xa2: {  	s0 =	simm.s32 @!p0 $0x3  }
0xa3: {  	_ =	swait.ge @!p0 [sflag:s0], s1  }
0xa4: {  	s1 =	ssub.s32 @!p0 $0x0, s1;
	[sflag:s0] =	ssyncset.done @!p0 $0x0  }
0xa5: {  	[sflag:s0] =	ssyncadd.s32 @!p0 s1  }
0xa6: {  	[bflag:$0x3] =	sbarrier.arrive $0xFFFF  }
0xa7: {  	_ =	shalt  }

// kernel: kernel.14.cloned.1.call-start
scs
__scs_entry_jumppad:
0x0: {  	(pc) =	sbr.rel $0x88, $3  }
0x1: {  	(tag) =	ssettag $0x0;
	lr =	simm.s32 $0x1  }
0x2: {  	[smem:$0x3F97] =	sst lr;
	_ =	strace $0xD0000000  }
0x3: {  	_ = 	snop  }
0x4: {  	_ = 	snop  }
0x5: {  	_ = 	snop  }
0x6: {  	_ = 	snop  }
0x7: {  	_ = 	snop  }
__scs_overlays_trampoline_lowered:
0x8: {  	[smem:$0x3FA6] =	sst s0  }
0x9: {  	[smem:$0x3FA7] =	sst s1  }
0xa: {  	[smem:$0x3FA8] =	sst s2  }
0xb: {  	[smem:$0x3FA9] =	sst s3  }
0xc: {  	[smem:$0x3FAA] =	sst s4  }
0xd: {  	[smem:$0x3FAB] =	sst s5  }
0xe: {  	[smem:$0x3FAC] =	sst s6  }
0xf: {  	[smem:$0x3FAD] =	sst s7  }
0x10: {  	[smem:$0x3FAE] =	sst s8  }
0x11: {  	[smem:$0x3FAF] =	sst s9;
	s0 =	simm.s32 @!p0 $0x0  }
0x12: {  	s1 =	sld [smem:$0x3F95];
	s0 =	simm.s32 @p0 $0x1  }
0x13: {  	[smem:$0x3FB0] =	sst s0;
	s0 =	simm.s32 @!p1 $0x0  }
0x14: {  	s2 =	sld [smem:$0x3F94];
	s0 =	simm.s32 @p1 $0x1  }
0x15: {  	[smem:$0x3FB1] =	sst s0;
	s0 =	simm.s32 @!p2 $0x0  }
0x16: {  	s3 =	sld [smem:$0x3FDB];
	s0 =	simm.s32 @p2 $0x1  }
0x17: {  	s4 =	simm.s32 $0x1BF5;
	[smem:$0x3FB3] =	sst s0  }
0x18: {  	s0 =	sld [smem:$0x3F96];
	_ =	swait.ge [sflag:s4], $0x0  }
0x19: {  	s7 =	sld [smem:$0x3F97]  }
0x1a: {  	s8 =	sadd.s32 $0xFFFFE003, lr  }
0x1b: {  	s9 =	sadd.s32 $0xFFFFFEF7, lr;
	s5 =	simm.s32 $0xFFFFFFFF;
	p2 =	slt.u32 s8, $0xFFFFF086  }
0x1c: {  	p1 =	slt.u32 s9, $0xF7A;
	s5 =	simm.s32 @!p2 $0x0  }
0x1d: {  	s5 =	simm.s32 @p1 $0x1;
	p0 =	seq.s32 s7, s2  }
0x1e: {  	s7 =	smul.u32 @!p0 $0xF7A, s2;
	p2 =	seq.s32 @!p0 s5, $0x0  }
0x1f: {  	s9 =	smul.u32 $0xF7A, s1;
	s8 =	simm.s32 @!p0 $0x1BF5;
	p2 =	por !p2, p0  }
0x20: {  	[sflag:s8] =	ssyncset.s32 @!p0 $0xFFFFF086;
	s6 =	sadd.s32 @!p0 s3, s7;
	s7 =	simm.s32 @!p0 $0x108  }
0x21: {  	s3 =	sadd.s32 s3, s9;
	s6 =	sadd.s32 @!p0 $0x88, s6;
	s7 =	simm.s32 @p2 $0x1082  }
0x22: {  	[simem:s7], [sflag:s8] =	dma.local @!p0 [hbm:s6], $0xF7A  }
0x23: {  	s9 =	sor.u32 $0xD0000000, s2;
	s6 =	simm.s32 $0x108;
	_ =	swait.ge @!p0 [sflag:s8], $0x0  }
0x24: {  	s3 =	sadd.s32 $0x88, s3;
	s6 =	simm.s32 @!p1 $0x1082;
	[sflag:s4] =	ssyncset.s32 $0xFFFFF086  }
0x25: {  	[simem:s6], [sflag:s4] =	dma.local [hbm:s3], $0xF7A  }
0x26: {  	[smem:$0x3F97] =	sst s1;
	(tag) =	ssettag s2;
	_ =	strace s9  }
0x27: {  	s1 =	sld [smem:$0x3FA7]  }
0x28: {  	s2 =	sld [smem:$0x3FA8]  }
0x29: {  	s4 =	sld [smem:$0x3FAA]  }
0x2a: {  	p0 =	seq.s32 s5, $0x0;
	s5 =	sld [smem:$0x3FAB]  }
0x2b: {  	s6 =	sld [smem:$0x3FAC]  }
0x2c: {  	s7 =	sld [smem:$0x3FAD]  }
0x2d: {  	s3 =	simm.s32 $0x108;
	s8 =	sld [smem:$0x3FAE]  }
0x2e: {  	s3 =	simm.s32 @!p0 $0x1082;
	s9 =	sld [smem:$0x3FAF]  }
0x2f: {  	lr =	sadd.s32 s0, s3;
	s0 =	sld [smem:$0x3FA6]  }
0x30: {  	s3 =	sld [smem:$0x3FA9]  }
0x31: {  	[smem:$0x3FB2] =	sst s10  }
0x32: {  	s10 =	sld [smem:$0x3FB0];
	_ =	sdelay $0x3  }
0x33: {  	p0 =	seq.s32 s10, $0x1;
	s10 =	sld [smem:$0x3FB2];
	_ =	sdelay $0x3  }
0x34: {  	[smem:$0x3FB2] =	sst s10  }
0x35: {  	s10 =	sld [smem:$0x3FB1];
	_ =	sdelay $0x3  }
0x36: {  	p1 =	seq.s32 s10, $0x1;
	s10 =	sld [smem:$0x3FB2];
	_ =	sdelay $0x3  }
0x37: {  	[smem:$0x3FB2] =	sst s10  }
0x38: {  	s10 =	sld [smem:$0x3FB3]  }
0x39: {  	_ = 	snop;
	(pc) =	sbr.ind lr, $3  }
0x3a: {  	_ = 	snop  }
0x3b: {  	_ = 	snop  }
0x3c: {  	p2 =	seq.s32 s10, $0x1;
	s10 =	sld [smem:$0x3FB2]  }
0x3d: {  	_ =	shalt  }
0x3e: {  	_ =	shalt  }
0x3f: {  	_ =	shalt  }
0x40: {  	_ =	shalt  }
0x41: {  	_ =	shalt  }
0x42: {  	_ =	shalt  }
0x43: {  	_ =	shalt  }
0x44: {  	_ =	shalt  }
0x45: {  	_ =	shalt  }
0x46: {  	_ =	shalt  }
0x47: {  	_ =	shalt  }
0x48: {  	_ =	shalt  }
0x49: {  	_ =	shalt  }
0x4a: {  	_ =	shalt  }
0x4b: {  	_ =	shalt  }
0x4c: {  	_ =	shalt  }
0x4d: {  	_ =	shalt  }
0x4e: {  	_ =	shalt  }
0x4f: {  	_ =	shalt  }
0x50: {  	_ =	shalt  }
0x51: {  	_ =	shalt  }
0x52: {  	_ =	shalt  }
0x53: {  	_ =	shalt  }
0x54: {  	_ =	shalt  }
0x55: {  	_ =	shalt  }
0x56: {  	_ =	shalt  }
0x57: {  	_ =	shalt  }
0x58: {  	_ =	shalt  }
0x59: {  	_ =	shalt  }
0x5a: {  	_ =	shalt  }
0x5b: {  	_ =	shalt  }
0x5c: {  	_ =	shalt  }
0x5d: {  	_ =	shalt  }
0x5e: {  	_ =	shalt  }
0x5f: {  	_ =	shalt  }
0x60: {  	_ =	shalt  }
0x61: {  	_ =	shalt  }
0x62: {  	_ =	shalt  }
0x63: {  	_ =	shalt  }
0x64: {  	_ =	shalt  }
0x65: {  	_ =	shalt  }
0x66: {  	_ =	shalt  }
0x67: {  	_ =	shalt  }
0x68: {  	_ =	shalt  }
0x69: {  	_ =	shalt  }
0x6a: {  	_ =	shalt  }
0x6b: {  	_ =	shalt  }
0x6c: {  	_ =	shalt  }
0x6d: {  	_ =	shalt  }
0x6e: {  	_ =	shalt  }
0x6f: {  	_ =	shalt  }
0x70: {  	_ =	shalt  }
0x71: {  	_ =	shalt  }
0x72: {  	_ =	shalt  }
0x73: {  	_ =	shalt  }
0x74: {  	_ =	shalt  }
0x75: {  	_ =	shalt  }
0x76: {  	_ =	shalt  }
0x77: {  	_ =	shalt  }
0x78: {  	_ =	shalt  }
0x79: {  	_ =	shalt  }
0x7a: {  	_ =	shalt  }
0x7b: {  	_ =	shalt  }
0x7c: {  	_ =	shalt  }
0x7d: {  	_ =	shalt  }
0x7e: {  	_ =	shalt  }
0x7f: {  	_ =	shalt  }
0x80: {  	_ =	shalt  }
0x81: {  	_ =	shalt  }
0x82: {  	_ =	shalt  }
0x83: {  	_ =	shalt  }
0x84: {  	_ =	shalt  }
0x85: {  	_ =	shalt  }
0x86: {  	_ =	shalt  }
0x87: {  	_ =	shalt  }
.Lfunc_end0:
.L_simem_size_0:
called_computation.2_lowered:
.L_overlay_start_0:
0x88: {  	s2 =	sld [smem:$0x3FD9]  }
0x89: {  	s3 =	sld [smem:$0x3FFE];
	_ =	sdelay $0x1  }
0x8a: {  	s1 =	srdreg.scid  }
0x8b: {  	s0 =	sand.u32 $0x1, s1  }
0x8c: {  	s17 =	sshll.u32 s0, $0xA;
	s2 =	sadd.s32 s3, s2  }
0x8d: {  	s2 =	sadd.s32 s2, s17  }
0x8e: {  	[smem:$0x3FBE] =	sst s2  }
0x8f: {  	_ = 	snop  }
0x90: {  	s2 =	sld [smem:$0x3FD0];
	(tm) =	ssettm $0x1  }
0x91: {  	s18 =	sld [smem:$0x3FFB];
	_ =	sdelay $0x3  }
0x92: {  	_ =	strace s18  }
0x93: {  	s3 =	sld [smem:$0x3FFC];
	_ =	sdelay $0x3  }
0x94: {  	_ =	strace s3  }
0x95: {  	s3 =	sld [smem:$0x3FFD];
	_ =	sdelay $0x3  }
0x96: {  	_ =	strace s3  }
0x97: {  	_ =	strace $0x8FFFFFFF  }
0x98: {  	s19 =	sld [smem:$0x3FDB];
	_ =	sdelay $0x1  }
0x99: {  	s4 =	simm.s32 $_scs_section_size  }
0x9a: {  	s5 =	simm.s32 $_size__tile_overlayer_lowered;
	s6 =	simm.s32 $_tile_overlayer_lowered  }
0x9b: {  	s22 =	simm.s32 $0x1BFF;
	s21 =	sshll.u32 s6, $0x1;
	s3 =	sadd.s32 s4, s19  }
0x9c: {  	s7 =	simm.s32 $0x0;
	s20 =	sshll.u32 s5, $0x1;
	s5 =	sadd.s32 s21, s3  }
0x9d: {  	[timem:s7], [sflag:s22] =	dma.local [hbm:s5], s20  }
0x9e: {  	_ =	swait.ge [sflag:s22], s20  }
0x9f: {  	s4 =	ssub.s32 $0x0, s20;
	[sflag:s22] =	ssyncset.done $0x0  }
0xa0: {  	[sflag:s22] =	ssyncadd.s32 s4;
	_ =	sdelay $0x1  }
0xa1: {  	s23 =	simm.s32 $0x1B8B  }
0xa2: {  	_ =	swait.ge [sflag:s23], $0x1  }
0xa3: {  	[sflag:s23] =	ssyncset.done $0x0  }
0xa4: {  	s25 =	simm.s32 $0x1B8E;
	s24 =	sld [smem:$0x3FFE];
	[sflag:s23] =	ssyncadd.s32 $0xFFFFFFFF  }
0xa5: {  	s26 =	simm.s32 $execute0_lowered;
	[smem:$0x3FD2] =	sst s25  }
0xa6: {  	s5 =	sshll.u32 s26, $0x1;
	_ =	strace $0x8000004C;
	[dreg:$0x1] =	wrdreg $0xFFFFFFFF  }
0xa7: {  	s28 =	simm.s32 $_size_execute0_lowered;
	s3 =	sadd.s32 s3, s5;
	[dreg:$0x0] =	wrdreg $0x0  }
0xa8: {  	s5 =	sshll.u32 s28, $0x1;
	[dreg:$0x2] =	wrdreg s3  }
0xa9: {  	[dreg:$0x3] =	wrdreg s5  }
0xaa: {  	[dreg:$0x4] =	wrdreg $0xC0  }
0xab: {  	_ =	task [dreg:s7], $0x5FFFF  }
0xac: {  	[dreg:$0x1] =	wrdreg $0xFFFFFFFF  }
0xad: {  	[dreg:$0x0] =	wrdreg $0x60  }
0xae: {  	[dreg:$0x2] =	wrdreg s24  }
0xaf: {  	[dreg:$0x3] =	wrdreg s2  }
0xb0: {  	[dreg:$0x4] =	wrdreg $0x0  }
0xb1: {  	[dreg:$0x5] =	wrdreg $0xA0000  }
0xb2: {  	[dreg:$0x6] =	wrdreg $0x9  }
0xb3: {  	_ =	task.clear_ibuf [dreg:s7], $0x7FFFF;
	_ =	strace $0x9000004C  }
0xb4: {  	s29 =	simm.s32 $0x9;
	_ =	strace $0x8000004E  }
0xb5: {  	_ =	swait.ge [sflag:s29], $0x1  }
0xb6: {  	[sflag:s29] =	ssyncadd.s32 $0xFFFFFFFF  }
0xb7: {  	_ =	strace $0x9000004E  }
0xb8: {  	_ =	sfence  }
0xb9: {  	s30 =	sld [smem:$0x0];
	_ =	sdelay $0x2  }
0xba: {  	s31 =	sshll.u32 s1, $0xD;
	s1 =	sshrl.u32 s1, $0x2  }
0xbb: {  	s3 =	sand.u32 $0x4000, s31;
	s1 =	sadd.s32 s1, s30  }
0xbc: {  	s0 =	sor.u32 s3, s0;
	s1 =	sshll.u32 s1, $0x11  }
0xbd: {  	s0 =	sor.u32 s1, s0  }
0xbe: {  	s0 =	sadd.s32 $0x8F2B, s0  }
0xbf: {  	[sflag:s0] =	ssyncadd.remote.s32 $0x1  }
0xc0: {  	_ =	sfence.sel $0xFFFF  }
0xc1: {  	[dreg:$0x0] =	wrdreg $0xFFFFFFFF;
	(pc) =	sbr.abs _section_cstart, $3  }
0xc2: {  	[dreg:$0x1] =	wrdreg $0xFFFFFFFF  }
0xc3: {  	_ =	task.clear_ibuf [dreg:s7], $0x2FFFF;
	_ =	strace $0x9FFFFFFF  }
0xc4: {  	(tm) =	ssettm $0x7FFFFFFF  }
0xc5: {  	_ =	shalt  }
tec
execute0_lowered:
.L_overlay_start_1:
0x0: {  	(tag) =	ssettag $0x1  }
0x1: {  	s5 =	rddreg [dreg:$0x0]  }
0x2: {  	s11 =	rddreg [dreg:$0x1]  }
0x3: {  	s2 =	rddreg [dreg:$0x2]  }
0x4: {  	s3 =	rddreg [dreg:$0x3];
	s6 =	srdreg.scid  }
0x5: {  	s1 =	stileid.u32;
	s4 =	simm.s32 $0x0;
	s15 =	simm.s32 $0x8  }
0x6: {  	s16 =	simm.s32 $0x10;
	s17 =	simm.s32 $0x3;
	s19 =	simm.s32 $0x14000  }
0x7: {  	s20 =	simm.s32 $0x16800;
	s21 =	simm.s32 $0x7D;
	s22 =	simm.s32 $0x19000  }
0x8: {  	s23 =	simm.s32 $0x14080;
	s24 =	simm.s32 $0x1AF40;
	s25 =	simm.s32 $0x2  }
0x9: {  	s26 =	simm.s32 $0x18F00;
	s28 =	simm.s32 $0x18F80;
	s29 =	simm.s32 $0x0  }
0xa: {  	s6 =	sand.u32 $0x1, s6;
	s7 =	smul.u32 $0x14000, s1;
	[smem:$0x7FF] =	sst s4  }
0xb: {  	s9 =	smul.u32 $0xA000, s1;
	s12 =	sadd.s32 $0x16400, s5;
	s31 =	sshll.u32 s1, $0x6  }
0xc: {  	s10 =	smul.u32 $0x5000, s1;
	s8 =	sshll.u32 s6, $0x6;
	s6 =	ssub.s32 $0x2, s6  }
0xd: {  	_ =	strace $0x8000004D;
	s7 =	sor.u32 s8, s7;
	s30 =	sshrl.u32 s6, $0x1  }
0xe: {  	s13 =	sadd.s32 s9, s2;
	s18 =	sadd.s32 s9, s3;
	s14 =	sshrl.u32 s10, $0x3  }
0xf: {  	s7 =	sshrl.u32 s7, $0x3;
	s8 =	ssub.s32 s6, s30;
	s6 =	sor.u32 $0x1C03, s31  }
0x10: {  	s9 =	sadd.s32 s11, s14;
	s10 =	sadd.s32 s12, s14;
	s14 =	sadd.s32 $0x500, s14  }
0x11: {  	s13 =	sshrl.u32 s13, $0x3;
	s18 =	sshrl.u32 s18, $0x3;
	s7 =	sadd.s32 s7, s5  }
0x12: {  	s8 =	smax.u32 s8, $0x1;
	s11 =	sadd.s32 s11, s14;
	s12 =	sadd.s32 s12, s14  }
0x13: {  	s14 =	simm.s32 $0x1;
	s5 =	sadd.s32 $0x20400, s7;
	s7 =	sadd.s32 $0x48400, s7  }
.LBB2_1:
0x14: {  	[spmem:s13@s15], [sflag:s6] =	dma.strided [hbm:s5@s16], $0x1400, s14, $0x8   }
0x15: {  	_ =	swait.ge [sflag:s17], $0x1400  }
0x16: {  	[sflag:s17] =	ssyncset.done $0x0  }
0x17: {  	[sflag:s17] =	ssyncadd.s32 $0xFFFFEC00  }
0x18: {  	[spmem:s18@s15], [sflag:s6] =	dma.strided [hbm:s5@s16], $0x1400, s14, $0x8   }
0x19: {  	_ =	swait.ge [sflag:s17], $0x1400  }
0x1a: {  	[sflag:s17] =	ssyncset.done $0x0  }
0x1b: {  	[sflag:s17] =	ssyncadd.s32 $0xFFFFEC00  }
0x1c: {  	[bflag:$0x0] =	sbarrier.arrive $0xFFFF  }
0x1d: {  	[tilespmem:s19], [sflag:$0x3] =	stream.linear.gather [hbm4b:s9+s4], $0x2800, $0x38;
	[tilespmem:$0x1CE80] =	vst v63  }
0x1e: {  	_ =	swait.ge [sflag:s17], $0x2800  }
0x1f: {  	[sflag:s17] =	ssyncset.done $0x0  }
0x20: {  	[sflag:s17] =	ssyncadd.s32 $0xFFFFD800  }
0x21: {  	[tilespmem:s20], [sflag:$0x3] =	stream.linear.gather [hbm4b:s10+s4], $0x2800, $0x38;
	[tilespmem:$0x1CE80] =	vst v63  }
0x22: {  	_ =	swait.ge [sflag:s17], $0x2800  }
0x23: {  	[sflag:s17] =	ssyncset.done $0x0  }
0x24: {  	[sflag:s17] =	ssyncadd.s32 $0xFFFFD800  }
0x25: {  	[tilespmem:s22], [sflag:$0x1] =	stream.indirect.gather [spmem:s2], $0x40, s19, s21, $0xb8;
	[tilespmem:$0x1CE80] =	vst v63  }
0x26: {  	_ = 	snop  }
0x27: {  	[tilespmem:s24], [sflag:$0x2] =	stream.indirect.gather [spmem:s2], $0x40, s23, s21, $0xb8;
	[tilespmem:$0x1CE80] =	vst v63  }
0x28: {  	_ =	swait.ge [sflag:s14], $0x1F40  }
0x29: {  	[sflag:s14] =	ssyncset.done $0x0  }
0x2a: {  	s30 =	simm.s32 $0x16800;
	[sflag:s14] =	ssyncadd.s32 $0xFFFFE0C0  }
0x2b: {  	[spmem:s3] =	stream.indirect.scatter.add.f32 [tilespmem:s22], [sflag:$0x3], $0x40, s30, s21, $0xb8;
	[tilespmem:$0x1CE80] =	vst v63  }
0x2c: {  	_ =	swait.ge [sflag:s17], $0x1F40  }
0x2d: {  	[sflag:s17] =	ssyncset.done $0x0  }
0x2e: {  	s30 =	simm.s32 $0x14100;
	[sflag:s17] =	ssyncadd.s32 $0xFFFFE0C0  }
0x2f: {  	[tilespmem:s22], [sflag:$0x1] =	stream.indirect.gather [spmem:s2], $0x40, s30, s21, $0xb8;
	[tilespmem:$0x1CE80] =	vst v63  }
0x30: {  	_ =	swait.ge [sflag:s25], $0x1F40  }
0x31: {  	[sflag:s25] =	ssyncset.done $0x0  }
0x32: {  	s30 =	simm.s32 $0x16880;
	[sflag:s25] =	ssyncadd.s32 $0xFFFFE0C0  }
0x33: {  	[spmem:s3] =	stream.indirect.scatter.add.f32 [tilespmem:s24], [sflag:$0x3], $0x40, s30, s21, $0xb8;
	[tilespmem:$0x1CE80] =	vst v63  }
0x34: {  	_ =	swait.ge [sflag:s17], $0x1F40  }
0x35: {  	[sflag:s17] =	ssyncset.done $0x0  }
0x36: {  	s31 =	simm.s32 $0x14180;
	s30 =	simm.s32 $0x400;
	[sflag:s17] =	ssyncadd.s32 $0xFFFFE0C0  }
.LBB2_2:
0x37: {  	[tilespmem:s24], [sflag:$0x2] =	stream.indirect.gather [spmem:s2], $0x40, s31, s21, $0xb8;
	[tilespmem:$0x1CE80] =	vst v63  }
0x38: {  	s31 =	smov.u32 s30  }
0x39: {  	p0 =	sne.s32 s30, $0x9800;
	s30 =	sadd.s32 $0x400, s30;
	_ =	swait.ge [sflag:s14], $0x1F40  }
0x3a: {  	s31 =	sshra.s32 s31, $0x2;
	[sflag:s14] =	ssyncset.done $0x0  }
0x3b: {  	s0 =	sadd.s32 $0x16800, s31;
	[sflag:s14] =	ssyncadd.s32 $0xFFFFE0C0  }
0x3c: {  	[spmem:s3] =	stream.indirect.scatter.add.f32 [tilespmem:s22], [sflag:$0x3], $0x40, s0, s21, $0xb8;
	[tilespmem:$0x1CE80] =	vst v63  }
0x3d: {  	_ =	swait.ge [sflag:s17], $0x1F40  }
0x3e: {  	[sflag:s17] =	ssyncset.done $0x0  }
0x3f: {  	s0 =	sadd.s32 $0x14100, s31;
	[sflag:s17] =	ssyncadd.s32 $0xFFFFE0C0  }
0x40: {  	[tilespmem:s22], [sflag:$0x1] =	stream.indirect.gather [spmem:s2], $0x40, s0, s21, $0xb8;
	[tilespmem:$0x1CE80] =	vst v63  }
0x41: {  	_ =	swait.ge [sflag:s25], $0x1F40  }
0x42: {  	[sflag:s25] =	ssyncset.done $0x0  }
.Ltmp0:
0x43: {  	s0 =	sadd.s32 $0x16880, s31;
	[sflag:s25] =	ssyncadd.s32 $0xFFFFE0C0;
	(pc) =	sbr.rel @p0 .LBB2_2-.Ltmp0, $4  }
0x44: {  	[spmem:s3] =	stream.indirect.scatter.add.f32 [tilespmem:s24], [sflag:$0x3], $0x40, s0, s21, $0xb8;
	[tilespmem:$0x1CE80] =	vst v63  }
0x45: {  	_ =	swait.ge [sflag:s17], $0x1F40  }
0x46: {  	[sflag:s17] =	ssyncset.done $0x0  }
0x47: {  	s31 =	sadd.s32 $0x14180, s31;
	[sflag:s17] =	ssyncadd.s32 $0xFFFFE0C0  }
0x48: {  	[tilespmem:s24], [sflag:$0x2] =	stream.indirect.gather [spmem:s2], $0x40, s31, s21, $0xb8;
	[tilespmem:$0x1CE80] =	vst v63  }
0x49: {  	_ =	swait.ge [sflag:s14], $0x1F40  }
0x4a: {  	[sflag:s14] =	ssyncset.done $0x0  }
0x4b: {  	[sflag:s14] =	ssyncadd.s32 $0xFFFFE0C0  }
0x4c: {  	[spmem:s3] =	stream.indirect.scatter.add.f32 [tilespmem:s22], [sflag:$0x3], $0x40, s26, s21, $0xb8;
	[tilespmem:$0x1CE80] =	vst v63  }
0x4d: {  	_ =	swait.ge [sflag:s17], $0x1F40  }
0x4e: {  	[sflag:s17] =	ssyncset.done $0x0  }
0x4f: {  	[sflag:s17] =	ssyncadd.s32 $0xFFFFE0C0  }
0x50: {  	_ =	swait.ge [sflag:s25], $0x1F40  }
0x51: {  	[sflag:s25] =	ssyncset.done $0x0  }
0x52: {  	[sflag:s25] =	ssyncadd.s32 $0xFFFFE0C0  }
0x53: {  	[spmem:s3] =	stream.indirect.scatter.add.f32 [tilespmem:s24], [sflag:$0x3], $0x40, s28, s21, $0xb8;
	[tilespmem:$0x1CE80] =	vst v63  }
0x54: {  	_ =	swait.ge [sflag:s17], $0x1F40  }
0x55: {  	[sflag:s17] =	ssyncset.done $0x0  }
0x56: {  	s0 =	simm.s32 $0x0;
	[sflag:s17] =	ssyncadd.s32 $0xFFFFE0C0  }
0x57: {  	[tilespmem:s19], [sflag:$0x3] =	stream.linear.gather [hbm4b:s11+s0], $0x2800, $0x38;
	[tilespmem:$0x1CE80] =	vst v63  }
0x58: {  	_ =	swait.ge [sflag:s17], $0x2800  }
0x59: {  	[sflag:s17] =	ssyncset.done $0x0  }
0x5a: {  	[sflag:s17] =	ssyncadd.s32 $0xFFFFD800  }
0x5b: {  	[tilespmem:s20], [sflag:$0x3] =	stream.linear.gather [hbm4b:s12+s0], $0x2800, $0x38;
	[tilespmem:$0x1CE80] =	vst v63  }
0x5c: {  	_ =	swait.ge [sflag:s17], $0x2800  }
0x5d: {  	[sflag:s17] =	ssyncset.done $0x0  }
0x5e: {  	[sflag:s17] =	ssyncadd.s32 $0xFFFFD800  }
0x5f: {  	[tilespmem:s22], [sflag:$0x1] =	stream.indirect.gather [spmem:s2], $0x40, s19, s21, $0xb8;
	[tilespmem:$0x1CE80] =	vst v63  }
0x60: {  	_ = 	snop  }
0x61: {  	[tilespmem:s24], [sflag:$0x2] =	stream.indirect.gather [spmem:s2], $0x40, s23, s21, $0xb8;
	[tilespmem:$0x1CE80] =	vst v63  }
0x62: {  	_ =	swait.ge [sflag:s14], $0x1F40  }
0x63: {  	[sflag:s14] =	ssyncset.done $0x0  }
0x64: {  	s0 =	simm.s32 $0x16800;
	[sflag:s14] =	ssyncadd.s32 $0xFFFFE0C0  }
0x65: {  	[spmem:s3] =	stream.indirect.scatter.add.f32 [tilespmem:s22], [sflag:$0x3], $0x40, s0, s21, $0xb8;
	[tilespmem:$0x1CE80] =	vst v63  }
0x66: {  	_ =	swait.ge [sflag:s17], $0x1F40  }
0x67: {  	[sflag:s17] =	ssyncset.done $0x0  }
0x68: {  	s0 =	simm.s32 $0x14100;
	[sflag:s17] =	ssyncadd.s32 $0xFFFFE0C0  }
0x69: {  	[tilespmem:s22], [sflag:$0x1] =	stream.indirect.gather [spmem:s2], $0x40, s0, s21, $0xb8;
	[tilespmem:$0x1CE80] =	vst v63  }
0x6a: {  	_ =	swait.ge [sflag:s25], $0x1F40  }
0x6b: {  	[sflag:s25] =	ssyncset.done $0x0  }
0x6c: {  	s0 =	simm.s32 $0x16880;
	[sflag:s25] =	ssyncadd.s32 $0xFFFFE0C0  }
0x6d: {  	[spmem:s3] =	stream.indirect.scatter.add.f32 [tilespmem:s24], [sflag:$0x3], $0x40, s0, s21, $0xb8;
	[tilespmem:$0x1CE80] =	vst v63  }
0x6e: {  	_ =	swait.ge [sflag:s17], $0x1F40  }
0x6f: {  	[sflag:s17] =	ssyncset.done $0x0  }
0x70: {  	s30 =	simm.s32 $0x400;
	s31 =	simm.s32 $0x14180;
	[sflag:s17] =	ssyncadd.s32 $0xFFFFE0C0  }
.LBB2_4:
0x71: {  	[tilespmem:s24], [sflag:$0x2] =	stream.indirect.gather [spmem:s2], $0x40, s31, s21, $0xb8;
	[tilespmem:$0x1CE80] =	vst v63  }
0x72: {  	s0 =	smov.u32 s30  }
0x73: {  	p0 =	sne.s32 s30, $0x9800;
	s30 =	sadd.s32 $0x400, s30;
	_ =	swait.ge [sflag:s14], $0x1F40  }
0x74: {  	s0 =	sshra.s32 s0, $0x2;
	[sflag:s14] =	ssyncset.done $0x0  }
0x75: {  	s31 =	sadd.s32 $0x16800, s0;
	[sflag:s14] =	ssyncadd.s32 $0xFFFFE0C0  }
0x76: {  	[spmem:s3] =	stream.indirect.scatter.add.f32 [tilespmem:s22], [sflag:$0x3], $0x40, s31, s21, $0xb8;
	[tilespmem:$0x1CE80] =	vst v63  }
0x77: {  	_ =	swait.ge [sflag:s17], $0x1F40  }
0x78: {  	[sflag:s17] =	ssyncset.done $0x0  }
0x79: {  	s31 =	sadd.s32 $0x14100, s0;
	[sflag:s17] =	ssyncadd.s32 $0xFFFFE0C0  }
0x7a: {  	[tilespmem:s22], [sflag:$0x1] =	stream.indirect.gather [spmem:s2], $0x40, s31, s21, $0xb8;
	[tilespmem:$0x1CE80] =	vst v63  }
0x7b: {  	_ =	swait.ge [sflag:s25], $0x1F40  }
0x7c: {  	[sflag:s25] =	ssyncset.done $0x0  }
.Ltmp1:
0x7d: {  	s31 =	sadd.s32 $0x16880, s0;
	[sflag:s25] =	ssyncadd.s32 $0xFFFFE0C0;
	(pc) =	sbr.rel @p0 .LBB2_4-.Ltmp1, $4  }
0x7e: {  	[spmem:s3] =	stream.indirect.scatter.add.f32 [tilespmem:s24], [sflag:$0x3], $0x40, s31, s21, $0xb8;
	[tilespmem:$0x1CE80] =	vst v63  }
0x7f: {  	_ =	swait.ge [sflag:s17], $0x1F40  }
0x80: {  	[sflag:s17] =	ssyncset.done $0x0  }
0x81: {  	s31 =	sadd.s32 $0x14180, s0;
	[sflag:s17] =	ssyncadd.s32 $0xFFFFE0C0  }
0x82: {  	[tilespmem:s24], [sflag:$0x2] =	stream.indirect.gather [spmem:s2], $0x40, s31, s21, $0xb8;
	[tilespmem:$0x1CE80] =	vst v63  }
0x83: {  	_ =	swait.ge [sflag:s14], $0x1F40  }
0x84: {  	[sflag:s14] =	ssyncset.done $0x0  }
0x85: {  	[sflag:s14] =	ssyncadd.s32 $0xFFFFE0C0  }
0x86: {  	[spmem:s3] =	stream.indirect.scatter.add.f32 [tilespmem:s22], [sflag:$0x3], $0x40, s26, s21, $0xb8;
	[tilespmem:$0x1CE80] =	vst v63  }
0x87: {  	_ =	swait.ge [sflag:s17], $0x1F40  }
0x88: {  	[sflag:s17] =	ssyncset.done $0x0  }
0x89: {  	[sflag:s17] =	ssyncadd.s32 $0xFFFFE0C0  }
0x8a: {  	_ =	swait.ge [sflag:s25], $0x1F40  }
0x8b: {  	[sflag:s25] =	ssyncset.done $0x0  }
0x8c: {  	[sflag:s25] =	ssyncadd.s32 $0xFFFFE0C0  }
0x8d: {  	[spmem:s3] =	stream.indirect.scatter.add.f32 [tilespmem:s24], [sflag:$0x3], $0x40, s28, s21, $0xb8;
	[tilespmem:$0x1CE80] =	vst v63  }
0x8e: {  	_ =	swait.ge [sflag:s17], $0x1F40  }
0x8f: {  	s29 =	sadd.s32 $0x1, s29;
	[sflag:s17] =	ssyncset.done $0x0  }
0x90: {  	p0 =	sne.s32 s29, s8;
	[sflag:s17] =	ssyncadd.s32 $0xFFFFE0C0  }
.Ltmp2:
0x91: {  	[bflag:$0x0] =	sbarrier.arrive $0xFFFF;
	(pc) =	sbr.rel @p0 .LBB2_1-.Ltmp2, $4  }
0x92: {  	[hbm:s7@s16], [sflag:s6] =	dma.strided [spmem:s18@s15], $0x1400, s14, $0x8   }
0x93: {  	_ =	swait.ge [sflag:s17], $0x1400  }
0x94: {  	[sflag:s17] =	ssyncset.done $0x0  }
0x95: {  	[sflag:s17] =	ssyncadd.s32 $0xFFFFEC00  }
0x96: {  	_ =	sfence.sel $0x180000  }
0x97: {  	[bflag:$0x0] =	sbarrier.arrive $0xFFFF  }
0x98: {  	_ =	strace $0x9000004D  }
0x99: {  	[bflag:$0x2] =	sbarrier.arrive $0xFFFF  }
0x9a: {  	p0 =	sne.s32 s1, $0x0;
	s0 =	rddreg [dreg:$0x4]  }
0x9b: {  	s0 =	sadd.s32 @!p0 $0x100000, s0  }
0x9c: {  	[sflag:s0] =	ssyncadd.tile.s32 @!p0 $0x1;
	_ =	shalt  }
.Lfunc_end2:
_tile_overlayer_lowered:
.L_overlay_start_2:
0x9d: {  	(tag) =	ssettag $0x2  }
0x9e: {  	s0 =	rddreg [dreg:$0x0];
	s2 =	stileid.u32  }
0x9f: {  	s1 =	rddreg [dreg:$0x1];
	p0 =	sne.s32 s2, $0x0  }
0xa0: {  	s3 =	rddreg [dreg:$0x2];
	[bflag:$0x3] =	sbarrier.arrive $0xFFFF;
	s2 =	simm.s32 @!p0 $0x1C03  }
0xa1: {  	[timem:s3], [sflag:s2] =	dma.local @!p0 [hbm:s0], s1  }
0xa2: {  	s0 =	simm.s32 @!p0 $0x3  }
0xa3: {  	_ =	swait.ge @!p0 [sflag:s0], s1  }
0xa4: {  	s1 =	ssub.s32 @!p0 $0x0, s1;
	[sflag:s0] =	ssyncset.done @!p0 $0x0  }
0xa5: {  	[sflag:s0] =	ssyncadd.s32 @!p0 s1  }
0xa6: {  	[bflag:$0x3] =	sbarrier.arrive $0xFFFF  }
0xa7: {  	_ =	shalt  }

// kernel: kernel.8.cloned.1.call-start
scs
__scs_entry_jumppad:
0x0: {  	(pc) =	sbr.rel $0x88, $3  }
0x1: {  	(tag) =	ssettag $0x0;
	lr =	simm.s32 $0x1  }
0x2: {  	[smem:$0x3F97] =	sst lr;
	_ =	strace $0xD0000000  }
0x3: {  	_ = 	snop  }
0x4: {  	_ = 	snop  }
0x5: {  	_ = 	snop  }
0x6: {  	_ = 	snop  }
0x7: {  	_ = 	snop  }
__scs_overlays_trampoline_lowered:
0x8: {  	[smem:$0x3FA6] =	sst s0  }
0x9: {  	[smem:$0x3FA7] =	sst s1  }
0xa: {  	[smem:$0x3FA8] =	sst s2  }
0xb: {  	[smem:$0x3FA9] =	sst s3  }
0xc: {  	[smem:$0x3FAA] =	sst s4  }
0xd: {  	[smem:$0x3FAB] =	sst s5  }
0xe: {  	[smem:$0x3FAC] =	sst s6  }
0xf: {  	[smem:$0x3FAD] =	sst s7  }
0x10: {  	[smem:$0x3FAE] =	sst s8  }
0x11: {  	[smem:$0x3FAF] =	sst s9;
	s0 =	simm.s32 @!p0 $0x0  }
0x12: {  	s1 =	sld [smem:$0x3F95];
	s0 =	simm.s32 @p0 $0x1  }
0x13: {  	[smem:$0x3FB0] =	sst s0;
	s0 =	simm.s32 @!p1 $0x0  }
0x14: {  	s2 =	sld [smem:$0x3F94];
	s0 =	simm.s32 @p1 $0x1  }
0x15: {  	[smem:$0x3FB1] =	sst s0;
	s0 =	simm.s32 @!p2 $0x0  }
0x16: {  	s3 =	sld [smem:$0x3FDB];
	s0 =	simm.s32 @p2 $0x1  }
0x17: {  	s4 =	simm.s32 $0x1BF5;
	[smem:$0x3FB3] =	sst s0  }
0x18: {  	s0 =	sld [smem:$0x3F96];
	_ =	swait.ge [sflag:s4], $0x0  }
0x19: {  	s7 =	sld [smem:$0x3F97]  }
0x1a: {  	s8 =	sadd.s32 $0xFFFFE003, lr  }
0x1b: {  	s9 =	sadd.s32 $0xFFFFFEF7, lr;
	s5 =	simm.s32 $0xFFFFFFFF;
	p2 =	slt.u32 s8, $0xFFFFF086  }
0x1c: {  	p1 =	slt.u32 s9, $0xF7A;
	s5 =	simm.s32 @!p2 $0x0  }
0x1d: {  	s5 =	simm.s32 @p1 $0x1;
	p0 =	seq.s32 s7, s2  }
0x1e: {  	s7 =	smul.u32 @!p0 $0xF7A, s2;
	p2 =	seq.s32 @!p0 s5, $0x0  }
0x1f: {  	s9 =	smul.u32 $0xF7A, s1;
	s8 =	simm.s32 @!p0 $0x1BF5;
	p2 =	por !p2, p0  }
0x20: {  	[sflag:s8] =	ssyncset.s32 @!p0 $0xFFFFF086;
	s6 =	sadd.s32 @!p0 s3, s7;
	s7 =	simm.s32 @!p0 $0x108  }
0x21: {  	s3 =	sadd.s32 s3, s9;
	s6 =	sadd.s32 @!p0 $0x88, s6;
	s7 =	simm.s32 @p2 $0x1082  }
0x22: {  	[simem:s7], [sflag:s8] =	dma.local @!p0 [hbm:s6], $0xF7A  }
0x23: {  	s9 =	sor.u32 $0xD0000000, s2;
	s6 =	simm.s32 $0x108;
	_ =	swait.ge @!p0 [sflag:s8], $0x0  }
0x24: {  	s3 =	sadd.s32 $0x88, s3;
	s6 =	simm.s32 @!p1 $0x1082;
	[sflag:s4] =	ssyncset.s32 $0xFFFFF086  }
0x25: {  	[simem:s6], [sflag:s4] =	dma.local [hbm:s3], $0xF7A  }
0x26: {  	[smem:$0x3F97] =	sst s1;
	(tag) =	ssettag s2;
	_ =	strace s9  }
0x27: {  	s1 =	sld [smem:$0x3FA7]  }
0x28: {  	s2 =	sld [smem:$0x3FA8]  }
0x29: {  	s4 =	sld [smem:$0x3FAA]  }
0x2a: {  	p0 =	seq.s32 s5, $0x0;
	s5 =	sld [smem:$0x3FAB]  }
0x2b: {  	s6 =	sld [smem:$0x3FAC]  }
0x2c: {  	s7 =	sld [smem:$0x3FAD]  }
0x2d: {  	s3 =	simm.s32 $0x108;
	s8 =	sld [smem:$0x3FAE]  }
0x2e: {  	s3 =	simm.s32 @!p0 $0x1082;
	s9 =	sld [smem:$0x3FAF]  }
0x2f: {  	lr =	sadd.s32 s0, s3;
	s0 =	sld [smem:$0x3FA6]  }
0x30: {  	s3 =	sld [smem:$0x3FA9]  }
0x31: {  	[smem:$0x3FB2] =	sst s10  }
0x32: {  	s10 =	sld [smem:$0x3FB0];
	_ =	sdelay $0x3  }
0x33: {  	p0 =	seq.s32 s10, $0x1;
	s10 =	sld [smem:$0x3FB2];
	_ =	sdelay $0x3  }
0x34: {  	[smem:$0x3FB2] =	sst s10  }
0x35: {  	s10 =	sld [smem:$0x3FB1];
	_ =	sdelay $0x3  }
0x36: {  	p1 =	seq.s32 s10, $0x1;
	s10 =	sld [smem:$0x3FB2];
	_ =	sdelay $0x3  }
0x37: {  	[smem:$0x3FB2] =	sst s10  }
0x38: {  	s10 =	sld [smem:$0x3FB3]  }
0x39: {  	_ = 	snop;
	(pc) =	sbr.ind lr, $3  }
0x3a: {  	_ = 	snop  }
0x3b: {  	_ = 	snop  }
0x3c: {  	p2 =	seq.s32 s10, $0x1;
	s10 =	sld [smem:$0x3FB2]  }
0x3d: {  	_ =	shalt  }
0x3e: {  	_ =	shalt  }
0x3f: {  	_ =	shalt  }
0x40: {  	_ =	shalt  }
0x41: {  	_ =	shalt  }
0x42: {  	_ =	shalt  }
0x43: {  	_ =	shalt  }
0x44: {  	_ =	shalt  }
0x45: {  	_ =	shalt  }
0x46: {  	_ =	shalt  }
0x47: {  	_ =	shalt  }
0x48: {  	_ =	shalt  }
0x49: {  	_ =	shalt  }
0x4a: {  	_ =	shalt  }
0x4b: {  	_ =	shalt  }
0x4c: {  	_ =	shalt  }
0x4d: {  	_ =	shalt  }
0x4e: {  	_ =	shalt  }
0x4f: {  	_ =	shalt  }
0x50: {  	_ =	shalt  }
0x51: {  	_ =	shalt  }
0x52: {  	_ =	shalt  }
0x53: {  	_ =	shalt  }
0x54: {  	_ =	shalt  }
0x55: {  	_ =	shalt  }
0x56: {  	_ =	shalt  }
0x57: {  	_ =	shalt  }
0x58: {  	_ =	shalt  }
0x59: {  	_ =	shalt  }
0x5a: {  	_ =	shalt  }
0x5b: {  	_ =	shalt  }
0x5c: {  	_ =	shalt  }
0x5d: {  	_ =	shalt  }
0x5e: {  	_ =	shalt  }
0x5f: {  	_ =	shalt  }
0x60: {  	_ =	shalt  }
0x61: {  	_ =	shalt  }
0x62: {  	_ =	shalt  }
0x63: {  	_ =	shalt  }
0x64: {  	_ =	shalt  }
0x65: {  	_ =	shalt  }
0x66: {  	_ =	shalt  }
0x67: {  	_ =	shalt  }
0x68: {  	_ =	shalt  }
0x69: {  	_ =	shalt  }
0x6a: {  	_ =	shalt  }
0x6b: {  	_ =	shalt  }
0x6c: {  	_ =	shalt  }
0x6d: {  	_ =	shalt  }
0x6e: {  	_ =	shalt  }
0x6f: {  	_ =	shalt  }
0x70: {  	_ =	shalt  }
0x71: {  	_ =	shalt  }
0x72: {  	_ =	shalt  }
0x73: {  	_ =	shalt  }
0x74: {  	_ =	shalt  }
0x75: {  	_ =	shalt  }
0x76: {  	_ =	shalt  }
0x77: {  	_ =	shalt  }
0x78: {  	_ =	shalt  }
0x79: {  	_ =	shalt  }
0x7a: {  	_ =	shalt  }
0x7b: {  	_ =	shalt  }
0x7c: {  	_ =	shalt  }
0x7d: {  	_ =	shalt  }
0x7e: {  	_ =	shalt  }
0x7f: {  	_ =	shalt  }
0x80: {  	_ =	shalt  }
0x81: {  	_ =	shalt  }
0x82: {  	_ =	shalt  }
0x83: {  	_ =	shalt  }
0x84: {  	_ =	shalt  }
0x85: {  	_ =	shalt  }
0x86: {  	_ =	shalt  }
0x87: {  	_ =	shalt  }
.Lfunc_end0:
.L_simem_size_0:
called_computation_lowered:
.L_overlay_start_0:
0x88: {  	s2 =	sld [smem:$0x3FD9]  }
0x89: {  	s3 =	sld [smem:$0x3FFE];
	_ =	sdelay $0x1  }
0x8a: {  	s1 =	srdreg.scid  }
0x8b: {  	s0 =	sand.u32 $0x1, s1  }
0x8c: {  	s16 =	sshll.u32 s0, $0xA;
	s2 =	sadd.s32 s3, s2  }
0x8d: {  	s2 =	sadd.s32 s2, s16  }
0x8e: {  	[smem:$0x3FBE] =	sst s2  }
0x8f: {  	_ = 	snop  }
0x90: {  	(tm) =	ssettm $0x1  }
0x91: {  	s17 =	sld [smem:$0x3FFB];
	_ =	sdelay $0x3  }
0x92: {  	_ =	strace s17  }
0x93: {  	s2 =	sld [smem:$0x3FFC];
	_ =	sdelay $0x3  }
0x94: {  	_ =	strace s2  }
0x95: {  	s2 =	sld [smem:$0x3FFD];
	_ =	sdelay $0x3  }
0x96: {  	_ =	strace s2  }
0x97: {  	_ =	strace $0x8FFFFFFF  }
0x98: {  	s18 =	sld [smem:$0x3FDB];
	_ =	sdelay $0x1  }
0x99: {  	s19 =	simm.s32 $_scs_section_size  }
0x9a: {  	s4 =	simm.s32 $_size__tile_overlayer_lowered;
	s5 =	simm.s32 $_tile_overlayer_lowered  }
0x9b: {  	s22 =	simm.s32 $0x1BFF;
	s21 =	sshll.u32 s5, $0x1;
	s2 =	sadd.s32 s19, s18  }
0x9c: {  	s6 =	simm.s32 $0x0;
	s20 =	sshll.u32 s4, $0x1;
	s4 =	sadd.s32 s21, s2  }
0x9d: {  	[timem:s6], [sflag:s22] =	dma.local [hbm:s4], s20  }
0x9e: {  	_ =	swait.ge [sflag:s22], s20  }
0x9f: {  	s3 =	ssub.s32 $0x0, s20;
	[sflag:s22] =	ssyncset.done $0x0  }
0xa0: {  	[sflag:s22] =	ssyncadd.s32 s3;
	_ =	sdelay $0x1  }
0xa1: {  	s23 =	simm.s32 $0x1B8B  }
0xa2: {  	_ =	swait.ge [sflag:s23], $0x1  }
0xa3: {  	[sflag:s23] =	ssyncset.done $0x0  }
0xa4: {  	s25 =	simm.s32 $0x1B8E;
	s24 =	sld [smem:$0x3FFE];
	[sflag:s23] =	ssyncadd.s32 $0xFFFFFFFF  }
0xa5: {  	s26 =	simm.s32 $execute0_lowered;
	[smem:$0x3FD2] =	sst s25  }
0xa6: {  	s4 =	sshll.u32 s26, $0x1;
	_ =	strace $0x80000046;
	[dreg:$0x1] =	wrdreg $0xFFFFFFFF  }
0xa7: {  	s28 =	simm.s32 $_size_execute0_lowered;
	s2 =	sadd.s32 s2, s4;
	[dreg:$0x0] =	wrdreg $0x0  }
0xa8: {  	s4 =	sshll.u32 s28, $0x1;
	[dreg:$0x2] =	wrdreg s2  }
0xa9: {  	[dreg:$0x3] =	wrdreg s4  }
0xaa: {  	[dreg:$0x4] =	wrdreg $0xC0  }
0xab: {  	_ =	task [dreg:s6], $0x5FFFF  }
0xac: {  	[dreg:$0x1] =	wrdreg $0xFFFFFFFF  }
0xad: {  	[dreg:$0x0] =	wrdreg $0x60  }
0xae: {  	[dreg:$0x2] =	wrdreg s24  }
0xaf: {  	[dreg:$0x3] =	wrdreg $0x9  }
0xb0: {  	_ =	task.clear_ibuf [dreg:s6], $0x4FFFF;
	_ =	strace $0x90000046  }
0xb1: {  	s29 =	simm.s32 $0x9;
	_ =	strace $0x80000048  }
0xb2: {  	_ =	swait.ge [sflag:s29], $0x1  }
0xb3: {  	[sflag:s29] =	ssyncadd.s32 $0xFFFFFFFF  }
0xb4: {  	_ =	strace $0x90000048  }
0xb5: {  	_ =	sfence  }
0xb6: {  	s30 =	sld [smem:$0x0];
	_ =	sdelay $0x2  }
0xb7: {  	s31 =	sshll.u32 s1, $0xD;
	s1 =	sshrl.u32 s1, $0x2  }
0xb8: {  	s3 =	sand.u32 $0x4000, s31;
	s1 =	sadd.s32 s1, s30  }
0xb9: {  	s0 =	sor.u32 s3, s0;
	s1 =	sshll.u32 s1, $0x11  }
0xba: {  	s0 =	sor.u32 s1, s0  }
0xbb: {  	s0 =	sadd.s32 $0x8F2B, s0  }
0xbc: {  	[sflag:s0] =	ssyncadd.remote.s32 $0x1  }
0xbd: {  	_ =	sfence.sel $0xFFFF  }
0xbe: {  	[dreg:$0x0] =	wrdreg $0xFFFFFFFF;
	(pc) =	sbr.abs _section_cstart, $3  }
0xbf: {  	[dreg:$0x1] =	wrdreg $0xFFFFFFFF  }
0xc0: {  	_ =	task.clear_ibuf [dreg:s6], $0x2FFFF;
	_ =	strace $0x9FFFFFFF  }
0xc1: {  	(tm) =	ssettm $0x7FFFFFFF  }
tec
execute0_lowered:
.L_overlay_start_1:
0x0: {  	(tag) =	ssettag $0x1  }
0x1: {  	s0 =	srdreg.scid  }
0x2: {  	s3 =	sand.u32 $0x1, s0  }
0x3: {  	s4 =	rddreg [dreg:$0x0];
	s0 =	stileid.u32;
	s1 =	sshll.u32 s3, $0x4  }
0x4: {  	s2 =	simm.s32 $0x0;
	s8 =	simm.s32 $0x1;
	s1 =	sor.u32 s0, s1  }
0x5: {  	s9 =	simm.s32 $0x2780;
	s10 =	simm.s32 $0x0;
	s5 =	sshrl.u32 s1, $0x3  }
0x6: {  	[smem:$0x7FF] =	sst s2;
	s7 =	sshll.u32 s0, $0x7;
	s6 =	smul.u32 $0x13C00, s5  }
0x7: {  	s3 =	ssub.s32 $0x2, s3;
	s7 =	sand.u32 $0x380, s7;
	s5 =	smul.u32 $0x14000, s5  }
0x8: {  	s31 =	sshrl.u32 s3, $0x1;
	s1 =	rddreg [dreg:$0x1];
	s6 =	sor.u32 s7, s6  }
0x9: {  	_ =	strace $0x80000047;
	s5 =	sor.u32 s7, s5;
	s6 =	sshrl.u32 s6, $0x3  }
0xa: {  	s7 =	simm.s32 $0x400;
	s5 =	sshrl.u32 s5, $0x3;
	s6 =	sadd.s32 s6, s4  }
0xb: {  	s4 =	sadd.s32 s5, s4;
	s5 =	ssub.s32 s3, s31;
	s3 =	sadd.s32 $0x2600, s6  }
0xc: {  	v0 =	vimm.f32 $0.0e+00;
	v1 =	vimm.f32 $1.000000000e+00;
	s4 =	sadd.s32 $0xC400, s4;
	s5 =	smax.u32 s5, $0x1;
	s6 =	simm.s32 $0x80  }
.LBB2_1:
0xd: {  	[tilespmem:s2], [sflag:$0x1] =	stream.strided.gather [hbm4b:s3+s6], $0x2780, s7, s6, $0x38;
	[tilespmem:$0x4F80] =	vst v63  }
0xe: {  	_ =	swait.ge [sflag:s8], $0x2780  }
0xf: {  	[sflag:s8] =	ssyncset.done $0x0  }
0x10: {  	s13 =	simm.s32 $0x27C0;
	[sflag:s8] =	ssyncadd.s32 $0xFFFFD880  }
0x11: {  	[tilespmem:s13+$0xFFFFFFC0] =	vst v0  }
0x12: {  	[tilespmem:s13+$0x30] =	vst v0  }
0x13: {  	[tilespmem:s13+$0x20] =	vst v0  }
0x14: {  	[tilespmem:s13+$0x10] =	vst v0  }
0x15: {  	[tilespmem:s13+$0x0] =	vst v0  }
0x16: {  	[tilespmem:s13+$0xFFFFFFF0] =	vst v0  }
0x17: {  	s11 =	simm.s32 $0xFFFFFFF8;
	s14 =	simm.s32 $0x0;
	[tilespmem:s13+$0xFFFFFFE0] =	vst v0  }
.LBB2_2:
0x18: {  	s14 =	sadd.s32 $0x8, s14;
	[tilespmem:s13+$0xFFFFFFD0] =	vst v0;
	s13 =	sadd.s32 $0x80, s13;
	s12 =	simm.s32 $0x40  }
0x19: {  	[tilespmem:s13+$0xFFFFFFC0] =	vst v0;
	p0 =	slt.u32 s14, $0x278  }
0x1a: {  	[tilespmem:s13+$0x30] =	vst v0  }
.Ltmp0:
0x1b: {  	[tilespmem:s13+$0x20] =	vst v0;
	(pc) =	sbr.rel @p0 .LBB2_2-.Ltmp0, $4  }
0x1c: {  	[tilespmem:s13+$0x10] =	vst v0  }
0x1d: {  	[tilespmem:s13+$0x0] =	vst v0  }
0x1e: {  	[tilespmem:s13+$0xFFFFFFF0] =	vst v0  }
0x1f: {  	[tilespmem:s13+$0xFFFFFFE0] =	vst v0  }
0x20: {  	[tilespmem:s13+$0xFFFFFFD0] =	vst v0  }
.LBB2_4:
0x21: {  	v2 =	vld [tilespmem:s12+$0xFFFFFFC0];
	_ =	sdelay $0x7  }
0x22: {  	[tilespmem:v2+s9+$0x0] =	vst.idx.add.f32.msk $0xffff, v1  }
0x23: {  	v2 =	vld [tilespmem:s12+$0xFFFFFFD0];
	_ =	sdelay $0x7  }
0x24: {  	[tilespmem:v2+s9+$0x0] =	vst.idx.add.f32.msk $0xffff, v1  }
0x25: {  	v2 =	vld [tilespmem:s12+$0xFFFFFFE0];
	_ =	sdelay $0x7  }
0x26: {  	[tilespmem:v2+s9+$0x0] =	vst.idx.add.f32.msk $0xffff, v1  }
0x27: {  	v2 =	vld [tilespmem:s12+$0xFFFFFFF0];
	_ =	sdelay $0x7  }
0x28: {  	[tilespmem:v2+s9+$0x0] =	vst.idx.add.f32.msk $0xffff, v1  }
0x29: {  	v2 =	vld [tilespmem:s12+$0x0];
	_ =	sdelay $0x7  }
0x2a: {  	[tilespmem:v2+s9+$0x0] =	vst.idx.add.f32.msk $0xffff, v1  }
0x2b: {  	v2 =	vld [tilespmem:s12+$0x10];
	_ =	sdelay $0x7  }
0x2c: {  	[tilespmem:v2+s9+$0x0] =	vst.idx.add.f32.msk $0xffff, v1  }
0x2d: {  	v2 =	vld [tilespmem:s12+$0x20];
	_ =	sdelay $0x7  }
0x2e: {  	[tilespmem:v2+s9+$0x0] =	vst.idx.add.f32.msk $0xffff, v1  }
0x2f: {  	v2 =	vld [tilespmem:s12+$0x30];
	_ =	sdelay $0x1  }
0x30: {  	s11 =	sadd.s32 $0x8, s11  }
0x31: {  	p0 =	slt.u32 s11, $0x268  }
.Ltmp1:
0x32: {  	_ = 	snop;
	(pc) =	sbr.rel @p0 .LBB2_4-.Ltmp1, $2  }
0x33: {  	_ =	sdelay $0x2  }
0x34: {  	s12 =	sadd.s32 $0x80, s12;
	[tilespmem:v2+s9+$0x0] =	vst.idx.add.f32.msk $0xffff, v1  }
0x35: {  	v2 =	vld [tilespmem:$0x2700];
	_ =	sdelay $0x5  }
0x36: {  	s10 =	sadd.s32 $0x1, s10  }
0x37: {  	p0 =	sne.s32 s10, s5  }
.Ltmp2:
0x38: {  	[tilespmem:v2+s9+$0x0] =	vst.idx.add.f32.msk $0xffff, v1;
	(pc) =	sbr.rel @p0 .LBB2_1-.Ltmp2, $4  }
0x39: {  	[hbm4b:s4+s6] =	stream.strided.scatter [tilespmem:s9], [sflag:$0x1], $0x2800, s7, s6, $0x38;
	[tilespmem:$0x4F80] =	vst v63  }
0x3a: {  	_ =	swait.ge [sflag:s8], $0x2800  }
0x3b: {  	[sflag:s8] =	ssyncset.done $0x0  }
0x3c: {  	[sflag:s8] =	ssyncadd.s32 $0xFFFFD800  }
0x3d: {  	_ =	sfence.sel $0x180000  }
0x3e: {  	[bflag:$0x0] =	sbarrier.arrive $0xFFFF  }
0x3f: {  	p0 =	sne.s32 s0, $0x0;
	_ =	strace $0x90000047  }
0x40: {  	s0 =	sadd.s32 @!p0 $0x100000, s1;
	[bflag:$0x2] =	sbarrier.arrive $0xFFFF  }
0x41: {  	[sflag:s0] =	ssyncadd.tile.s32 @!p0 $0x1;
	_ =	shalt  }
.Lfunc_end2:
_tile_overlayer_lowered:
.L_overlay_start_2:
0x42: {  	(tag) =	ssettag $0x2  }
0x43: {  	s0 =	rddreg [dreg:$0x0];
	s2 =	stileid.u32  }
0x44: {  	s1 =	rddreg [dreg:$0x1];
	p0 =	sne.s32 s2, $0x0  }
0x45: {  	s3 =	rddreg [dreg:$0x2];
	[bflag:$0x3] =	sbarrier.arrive $0xFFFF;
	s2 =	simm.s32 @!p0 $0x1C01  }
0x46: {  	[timem:s3], [sflag:s2] =	dma.local @!p0 [hbm:s0], s1  }
0x47: {  	s0 =	simm.s32 @!p0 $0x1  }
0x48: {  	_ =	swait.ge @!p0 [sflag:s0], s1  }
0x49: {  	s1 =	ssub.s32 @!p0 $0x0, s1;
	[sflag:s0] =	ssyncset.done @!p0 $0x0  }
0x4a: {  	[sflag:s0] =	ssyncadd.s32 @!p0 s1  }
0x4b: {  	[bflag:$0x3] =	sbarrier.arrive $0xFFFF  }
0x4c: {  	_ =	shalt  }

</sc_bundles>
